<compile_context>
chip_gen: v7x
topology: tpu7x:2x2x1
jax: 0.10.2.dev20260603
libtpu: 0.0.44.dev20260713+nightly
codegen_flags: <defaults>
</compile_context>

<pallas_src>
import functools

import jax
import jax.numpy as jnp
from jax import lax
from jax.experimental import pallas as pl
from jax.experimental.pallas import tpu as pltpu
from jax.experimental.pallas import tpu_sc as plsc



def _coef_body(wt_ref, idx_ref, c0_ref, ca_ref, cb_ref, cab_ref, idxp_ref):
    w = wt_ref[...]
    m = jnp.max(w, axis=0, keepdims=True)
    e = jnp.exp(w - m)
    rs = 1.0 / jnp.sum(e, axis=0)
    c0_ref[...] = (e[8] + e[9] + e[10] + e[11]
                   + e[12] + e[13] + e[14] + e[15]) * rs
    ca_ref[...] = (e[2] + e[3] + e[6] + e[7]
                   - e[8] - e[9] - e[12] - e[13]) * rs
    cb_ref[...] = (e[4] + e[5] + e[6] + e[7]
                   - e[8] - e[9] - e[10] - e[11]) * rs
    cab_ref[...] = (e[1] - e[2] - e[4] - 2.0 * e[6] - e[7]
                    + e[8] + 2.0 * e[9] + e[11] + e[13] - e[14]) * rs
    idxp_ref[...] = jnp.bitwise_or(jnp.left_shift(idx_ref[1], 12), idx_ref[0])


def _coef_table(wt, idx):
    n = wt.shape[1]
    return pl.pallas_call(
        _coef_body,
        out_shape=[jax.ShapeDtypeStruct((n,), jnp.float32)] * 4
        + [jax.ShapeDtypeStruct((n,), jnp.int32)],
    )(wt, idx)



R = 8
SB = 1024
NG = SB // 16


def _logic_body(x_hbm, c0_hbm, ca_hbm, cb_hbm, cab_hbm, idxp_hbm,
                out_hbm,
                idxp_v, c0_v, ca_v, cb_v, cab_v,
                xbuf, obuf, sem_x, sem_o,
                *, batch, in_dim, out_dim, nc):
    rpw = batch // (nc * 16)
    nchunk = rpw // R
    nsb = out_dim // SB
    wid = lax.axis_index("s") * nc + lax.axis_index("c")
    base_row = wid * rpw

    pltpu.async_copy(x_hbm.at[pl.ds(base_row, R)], xbuf.at[pl.ds(0, R)],
                     sem_x.at[0])
    tbl = [(idxp_hbm, idxp_v), (c0_hbm, c0_v), (ca_hbm, ca_v),
           (cb_hbm, cb_v), (cab_hbm, cab_v)]
    for src, dst in tbl:
        pltpu.async_copy(src, dst, sem_o.at[0])
    for src, dst in tbl:
        pltpu.make_async_copy(src, dst, sem_o.at[0]).wait()

    def chunk_body(ch, _):
        cur = lax.rem(ch, 2)
        rowbase = base_row + ch * R
        pltpu.make_async_copy(x_hbm.at[pl.ds(rowbase, R)],
                              xbuf.at[pl.ds(cur * R, R)],
                              sem_x.at[cur]).wait()

        @pl.when(ch + 1 < nchunk)
        def _prefetch():
            nxt = lax.rem(ch + 1, 2)
            pltpu.async_copy(x_hbm.at[pl.ds(rowbase + R, R)],
                             xbuf.at[pl.ds(nxt * R, R)],
                             sem_x.at[nxt])

        rowv = [jnp.full((16,), cur * R + r, dtype=jnp.int32) for r in range(R)]

        def sb_body(sb, _):
            t = ch * nsb + sb
            ob = lax.rem(sb, 2)

            @pl.when(t >= 2)
            def _drain():
                tp = t - 2
                chp = tp // nsb
                sbp = lax.rem(tp, nsb)
                pltpu.make_async_copy(
                    obuf.at[ob],
                    out_hbm.at[pl.ds(base_row + chp * R, R),
                               pl.ds(sbp * SB, SB)],
                    sem_o.at[ob]).wait()

            @plsc.parallel_loop(0, NG, unroll=2)
            def g_body(g):
                jb = sb * SB + g * 16
                ip = idxp_v[pl.ds(jb, 16)]
                i0 = jnp.bitwise_and(ip, 4095)
                i1 = jnp.right_shift(ip, 12)
                k0 = c0_v[pl.ds(jb, 16)]
                ka = ca_v[pl.ds(jb, 16)]
                kb = cb_v[pl.ds(jb, 16)]
                kab = cab_v[pl.ds(jb, 16)]
                ab = [(plsc.load_gather(xbuf, [rowv[r], i0]),
                       plsc.load_gather(xbuf, [rowv[r], i1]))
                      for r in range(R)]
                for r in range(R):
                    a, b = ab[r]
                    val = (k0 + a * ka) + b * (kb + a * kab)
                    obuf[ob, r, pl.ds(g * 16, 16)] = val
            pltpu.async_copy(obuf.at[ob],
                             out_hbm.at[pl.ds(rowbase, R), pl.ds(sb * SB, SB)],
                             sem_o.at[ob])
            return _

        lax.fori_loop(0, nsb, sb_body, None)
        return _

    lax.fori_loop(0, nchunk, chunk_body, None)

    lastrow = base_row + (nchunk - 1) * R
    for sb in (nsb - 2, nsb - 1):
        pltpu.make_async_copy(obuf.at[sb % 2],
                              out_hbm.at[pl.ds(lastrow, R),
                                         pl.ds(sb * SB, SB)],
                              sem_o.at[sb % 2]).wait()


def _logic_dense_sc(x, c0, ca, cb, cab, idxp):
    batch, in_dim = x.shape
    out_dim = idxp.shape[0]
    mesh = plsc.VectorSubcoreMesh(core_axis_name="c", subcore_axis_name="s")
    nc = mesh.num_cores

    body = functools.partial(_logic_body, batch=batch, in_dim=in_dim,
                             out_dim=out_dim, nc=nc)
    f = pl.kernel(
        body,
        out_type=jax.ShapeDtypeStruct((batch, out_dim), jnp.float32),
        mesh=mesh,
        compiler_params=pltpu.CompilerParams(use_tc_tiling_on_sc=True,
                                             needs_layout_passes=False),
        scratch_types=[
            pltpu.VMEM((out_dim,), jnp.int32),
            pltpu.VMEM((out_dim,), jnp.float32),
            pltpu.VMEM((out_dim,), jnp.float32),
            pltpu.VMEM((out_dim,), jnp.float32),
            pltpu.VMEM((out_dim,), jnp.float32),
            pltpu.VMEM((2 * R, in_dim), jnp.float32),
            pltpu.VMEM((2, R, SB), jnp.float32),
            pltpu.SemaphoreType.DMA((2,)),
            pltpu.SemaphoreType.DMA((2,)),
        ],
    )
    return f(x, c0, ca, cb, cab, idxp)


def kernel(x, weight, indices):
    c0, ca, cb, cab, idxp = _coef_table(weight.T.astype(jnp.float32),
                                        indices.astype(jnp.int32))
    return _logic_dense_sc(x, c0, ca, cb, cab, idxp)

# --- scband reference (transcript-rebuilt; emitter-appended) ---
"""Pipeline reference for scband-logic-dense-47055661695075 (READ-ONLY COPY).

The authoritative reference and input builder live on the scoring server;
editing this copy changes nothing except your own understanding.
"""

import jax, jax.numpy as jnp
import numpy as np

IN_DIM = 4096
OUT_DIM = 8192
BATCH = 4096
TAU = 1.0


def setup_inputs(seed: int = 0) -> dict:
    key = jax.random.key(seed)
    k1, k2, k3, k4 = jax.random.split(key, 4)
    x = jax.random.uniform(k1, (BATCH, IN_DIM), dtype=jnp.float32)
    # LUT weights: (out_dim, 2**(2**lut_rank)) = (out_dim, 16)
    weight = jax.random.normal(k2, (OUT_DIM, 16), dtype=jnp.float32)
    # residual init: bias toward op 3 (pass-through of input a)
    weight = weight.at[:, 3].add(1.0)
    # connection indices (buffer, int constants), shape (lut_rank, out_dim)
    idx0 = jax.random.randint(k3, (OUT_DIM,), 0, IN_DIM)
    idx1 = jax.random.randint(k4, (OUT_DIM,), 0, IN_DIM)
    indices = jnp.stack([idx0, idx1], axis=0).astype(jnp.int64)
    return {"x": x, "weight": weight, "indices": indices}


def bin_op_s(a, b, w):
    # a, b: (..., out_dim); w: (out_dim, 16) broadcasting over leading dims
    ab = a * b
    out = w[..., 1] * ab
    out = out + w[..., 2] * (a - ab)
    out = out + w[..., 3] * a
    out = out + w[..., 4] * (b - ab)
    out = out + w[..., 5] * b
    out = out + w[..., 6] * (a + b - 2.0 * ab)
    out = out + w[..., 7] * (a + b - ab)
    out = out + w[..., 8] * (1.0 - (a + b - ab))
    out = out + w[..., 9] * (1.0 - (a + b - 2.0 * ab))
    out = out + w[..., 10] * (1.0 - b)
    out = out + w[..., 11] * (1.0 - b + ab)
    out = out + w[..., 12] * (1.0 - a)
    out = out + w[..., 13] * (1.0 - a + ab)
    out = out + w[..., 14] * (1.0 - ab)
    out = out + w[..., 15]
    return out


def reference(x, weight, indices):
    # gather the two wired input features per neuron
    a = x[..., indices[0]]
    b = x[..., indices[1]]
    # forward_sampling == 'soft': softmax over the 16 possible boolean LUTs
    w = jax.nn.softmax(weight / TAU, axis=-1)
    return bin_op_s(a, b, w)

if __name__ == "__main__":
    import jax
    _d = setup_inputs()
    print(jax.jit(kernel)(*tuple(_d.values())))

</pallas_src>

<mosaic_0001>
#map = affine_map<(d0, d1) -> (0, 0)>
#map1 = affine_map<(d0, d1) -> (0)>
module attributes {stable_mosaic.version = 14 : i64} {
  func.func @_logic_body(%arg0: i32, %arg1: i32, %arg2: memref<4096x4096xf32, #tpu.memory_space<hbm>>, %arg3: memref<8192xf32, #tpu.memory_space<hbm>>, %arg4: memref<8192xf32, #tpu.memory_space<hbm>>, %arg5: memref<8192xf32, #tpu.memory_space<hbm>>, %arg6: memref<8192xf32, #tpu.memory_space<hbm>>, %arg7: memref<8192xi32, #tpu.memory_space<hbm>>, %arg8: memref<4096x8192xf32, #tpu.memory_space<hbm>>, %arg9: memref<8192xi32, #tpu.memory_space<vmem>>, %arg10: memref<8192xf32, #tpu.memory_space<vmem>>, %arg11: memref<8192xf32, #tpu.memory_space<vmem>>, %arg12: memref<8192xf32, #tpu.memory_space<vmem>>, %arg13: memref<8192xf32, #tpu.memory_space<vmem>>, %arg14: memref<16x4096xf32, #tpu.memory_space<vmem>>, %arg15: memref<2x8x1024xf32, #tpu.memory_space<vmem>>, %arg16: memref<2x!tpu.dma_semaphore, #tpu.memory_space<semaphore_mem>>, %arg17: memref<2x!tpu.dma_semaphore, #tpu.memory_space<semaphore_mem>>) attributes {dimension_semantics = [#tpu.dimension_semantics<core_parallel>, #tpu.dimension_semantics<subcore_parallel>], iteration_bounds = array<i64: 2, 16>, scalar_prefetch = 0 : i64, scratch_operands = 9 : i64, tpu.core_type = #tpu.core_type<sc_vector_subcore>, window_params = [{transform_indices = #map}, {transform_indices = #map1}, {transform_indices = #map1}, {transform_indices = #map1}, {transform_indices = #map1}, {transform_indices = #map1}, {transform_indices = #map}]} {
    %mul3A = arith.constant 2 : i32
    %mul3A_0 = arith.muli %arg1, %mul3A : i32
    %add3A = arith.addi %mul3A_0, %arg0 : i32
    %mul3A_1 = arith.constant 128 : i32
    %mul3A_2 = arith.muli %add3A, %mul3A_1 : i32
    %dma_start3A = arith.constant 0 : i32
    %dma_start3A_3 = arith.constant 0 : i32
    %dma_start3A_4 = arith.constant 0 : i32
    %dma_start3A_5 = tpu.memref_slice %arg14[%dma_start3A_3, %dma_start3A_4] : memref<16x4096xf32, #tpu.memory_space<vmem>> -> memref<8x4096xf32, #tpu.memory_space<vmem>>
    %dma_start3A_6 = arith.constant 0 : i32
    %dma_start3A_7 = tpu.memref_slice %arg2[%mul3A_2, %dma_start3A_6] : memref<4096x4096xf32, #tpu.memory_space<hbm>> -> memref<8x4096xf32, #tpu.memory_space<hbm>>
    %dma_start3A_8 = tpu.memref_slice %arg16[%dma_start3A] : memref<2x!tpu.dma_semaphore, #tpu.memory_space<semaphore_mem>> -> memref<1x!tpu.dma_semaphore, #tpu.memory_space<semaphore_mem>>
    %dma_start3A_9 = tpu.memref_squeeze %dma_start3A_8 : memref<1x!tpu.dma_semaphore, #tpu.memory_space<semaphore_mem>> -> memref<!tpu.dma_semaphore, #tpu.memory_space<semaphore_mem>>
    %dma_start3A_10 = arith.constant 0 : i32
    %dma_start3A_11 = arith.constant 0 : i32
    %dma_start3A_12 = tpu.memref_slice %arg14[%dma_start3A_10, %dma_start3A_11] : memref<16x4096xf32, #tpu.memory_space<vmem>> -> memref<8x4096xf32, #tpu.memory_space<vmem>>
    %dma_start3A_13 = arith.constant 0 : i32
    %dma_start3A_14 = tpu.memref_slice %arg2[%mul3A_2, %dma_start3A_13] : memref<4096x4096xf32, #tpu.memory_space<hbm>> -> memref<8x4096xf32, #tpu.memory_space<hbm>>
    tpu.enqueue_dma source(%dma_start3A_14 : memref<8x4096xf32, #tpu.memory_space<hbm>>) target(%dma_start3A_12 : memref<8x4096xf32, #tpu.memory_space<vmem>>) target_semaphore(%dma_start3A_9 : memref<!tpu.dma_semaphore, #tpu.memory_space<semaphore_mem>>)
    %dma_start3A_15 = arith.constant 0 : i32
    %dma_start3A_16 = tpu.memref_slice %arg17[%dma_start3A_15] : memref<2x!tpu.dma_semaphore, #tpu.memory_space<semaphore_mem>> -> memref<1x!tpu.dma_semaphore, #tpu.memory_space<semaphore_mem>>
    %dma_start3A_17 = tpu.memref_squeeze %dma_start3A_16 : memref<1x!tpu.dma_semaphore, #tpu.memory_space<semaphore_mem>> -> memref<!tpu.dma_semaphore, #tpu.memory_space<semaphore_mem>>
    tpu.enqueue_dma source(%arg7 : memref<8192xi32, #tpu.memory_space<hbm>>) target(%arg9 : memref<8192xi32, #tpu.memory_space<vmem>>) target_semaphore(%dma_start3A_17 : memref<!tpu.dma_semaphore, #tpu.memory_space<semaphore_mem>>)
    %dma_start3A_18 = arith.constant 0 : i32
    %dma_start3A_19 = tpu.memref_slice %arg17[%dma_start3A_18] : memref<2x!tpu.dma_semaphore, #tpu.memory_space<semaphore_mem>> -> memref<1x!tpu.dma_semaphore, #tpu.memory_space<semaphore_mem>>
    %dma_start3A_20 = tpu.memref_squeeze %dma_start3A_19 : memref<1x!tpu.dma_semaphore, #tpu.memory_space<semaphore_mem>> -> memref<!tpu.dma_semaphore, #tpu.memory_space<semaphore_mem>>
    tpu.enqueue_dma source(%arg3 : memref<8192xf32, #tpu.memory_space<hbm>>) target(%arg10 : memref<8192xf32, #tpu.memory_space<vmem>>) target_semaphore(%dma_start3A_20 : memref<!tpu.dma_semaphore, #tpu.memory_space<semaphore_mem>>)
    %dma_start3A_21 = arith.constant 0 : i32
    %dma_start3A_22 = tpu.memref_slice %arg17[%dma_start3A_21] : memref<2x!tpu.dma_semaphore, #tpu.memory_space<semaphore_mem>> -> memref<1x!tpu.dma_semaphore, #tpu.memory_space<semaphore_mem>>
    %dma_start3A_23 = tpu.memref_squeeze %dma_start3A_22 : memref<1x!tpu.dma_semaphore, #tpu.memory_space<semaphore_mem>> -> memref<!tpu.dma_semaphore, #tpu.memory_space<semaphore_mem>>
    tpu.enqueue_dma source(%arg4 : memref<8192xf32, #tpu.memory_space<hbm>>) target(%arg11 : memref<8192xf32, #tpu.memory_space<vmem>>) target_semaphore(%dma_start3A_23 : memref<!tpu.dma_semaphore, #tpu.memory_space<semaphore_mem>>)
    %dma_start3A_24 = arith.constant 0 : i32
    %dma_start3A_25 = tpu.memref_slice %arg17[%dma_start3A_24] : memref<2x!tpu.dma_semaphore, #tpu.memory_space<semaphore_mem>> -> memref<1x!tpu.dma_semaphore, #tpu.memory_space<semaphore_mem>>
    %dma_start3A_26 = tpu.memref_squeeze %dma_start3A_25 : memref<1x!tpu.dma_semaphore, #tpu.memory_space<semaphore_mem>> -> memref<!tpu.dma_semaphore, #tpu.memory_space<semaphore_mem>>
    tpu.enqueue_dma source(%arg5 : memref<8192xf32, #tpu.memory_space<hbm>>) target(%arg12 : memref<8192xf32, #tpu.memory_space<vmem>>) target_semaphore(%dma_start3A_26 : memref<!tpu.dma_semaphore, #tpu.memory_space<semaphore_mem>>)
    %dma_start3A_27 = arith.constant 0 : i32
    %dma_start3A_28 = tpu.memref_slice %arg17[%dma_start3A_27] : memref<2x!tpu.dma_semaphore, #tpu.memory_space<semaphore_mem>> -> memref<1x!tpu.dma_semaphore, #tpu.memory_space<semaphore_mem>>
    %dma_start3A_29 = tpu.memref_squeeze %dma_start3A_28 : memref<1x!tpu.dma_semaphore, #tpu.memory_space<semaphore_mem>> -> memref<!tpu.dma_semaphore, #tpu.memory_space<semaphore_mem>>
    tpu.enqueue_dma source(%arg6 : memref<8192xf32, #tpu.memory_space<hbm>>) target(%arg13 : memref<8192xf32, #tpu.memory_space<vmem>>) target_semaphore(%dma_start3A_29 : memref<!tpu.dma_semaphore, #tpu.memory_space<semaphore_mem>>)
    %dma_wait3A = arith.constant 0 : i32
    %dma_wait3A_30 = tpu.memref_slice %arg17[%dma_wait3A] : memref<2x!tpu.dma_semaphore, #tpu.memory_space<semaphore_mem>> -> memref<1x!tpu.dma_semaphore, #tpu.memory_space<semaphore_mem>>
    %dma_wait3A_31 = tpu.memref_squeeze %dma_wait3A_30 : memref<1x!tpu.dma_semaphore, #tpu.memory_space<semaphore_mem>> -> memref<!tpu.dma_semaphore, #tpu.memory_space<semaphore_mem>>
    tpu.wait_dma2 semaphore(%dma_wait3A_31 : memref<!tpu.dma_semaphore, #tpu.memory_space<semaphore_mem>>) src(%arg7 : memref<8192xi32, #tpu.memory_space<hbm>>) dst(%arg9 : memref<8192xi32, #tpu.memory_space<vmem>>)
    %dma_wait3A_32 = arith.constant 0 : i32
    %dma_wait3A_33 = tpu.memref_slice %arg17[%dma_wait3A_32] : memref<2x!tpu.dma_semaphore, #tpu.memory_space<semaphore_mem>> -> memref<1x!tpu.dma_semaphore, #tpu.memory_space<semaphore_mem>>
    %dma_wait3A_34 = tpu.memref_squeeze %dma_wait3A_33 : memref<1x!tpu.dma_semaphore, #tpu.memory_space<semaphore_mem>> -> memref<!tpu.dma_semaphore, #tpu.memory_space<semaphore_mem>>
    tpu.wait_dma2 semaphore(%dma_wait3A_34 : memref<!tpu.dma_semaphore, #tpu.memory_space<semaphore_mem>>) src(%arg3 : memref<8192xf32, #tpu.memory_space<hbm>>) dst(%arg10 : memref<8192xf32, #tpu.memory_space<vmem>>)
    %dma_wait3A_35 = arith.constant 0 : i32
    %dma_wait3A_36 = tpu.memref_slice %arg17[%dma_wait3A_35] : memref<2x!tpu.dma_semaphore, #tpu.memory_space<semaphore_mem>> -> memref<1x!tpu.dma_semaphore, #tpu.memory_space<semaphore_mem>>
    %dma_wait3A_37 = tpu.memref_squeeze %dma_wait3A_36 : memref<1x!tpu.dma_semaphore, #tpu.memory_space<semaphore_mem>> -> memref<!tpu.dma_semaphore, #tpu.memory_space<semaphore_mem>>
    tpu.wait_dma2 semaphore(%dma_wait3A_37 : memref<!tpu.dma_semaphore, #tpu.memory_space<semaphore_mem>>) src(%arg4 : memref<8192xf32, #tpu.memory_space<hbm>>) dst(%arg11 : memref<8192xf32, #tpu.memory_space<vmem>>)
    %dma_wait3A_38 = arith.constant 0 : i32
    %dma_wait3A_39 = tpu.memref_slice %arg17[%dma_wait3A_38] : memref<2x!tpu.dma_semaphore, #tpu.memory_space<semaphore_mem>> -> memref<1x!tpu.dma_semaphore, #tpu.memory_space<semaphore_mem>>
    %dma_wait3A_40 = tpu.memref_squeeze %dma_wait3A_39 : memref<1x!tpu.dma_semaphore, #tpu.memory_space<semaphore_mem>> -> memref<!tpu.dma_semaphore, #tpu.memory_space<semaphore_mem>>
    tpu.wait_dma2 semaphore(%dma_wait3A_40 : memref<!tpu.dma_semaphore, #tpu.memory_space<semaphore_mem>>) src(%arg5 : memref<8192xf32, #tpu.memory_space<hbm>>) dst(%arg12 : memref<8192xf32, #tpu.memory_space<vmem>>)
    %dma_wait3A_41 = arith.constant 0 : i32
    %dma_wait3A_42 = tpu.memref_slice %arg17[%dma_wait3A_41] : memref<2x!tpu.dma_semaphore, #tpu.memory_space<semaphore_mem>> -> memref<1x!tpu.dma_semaphore, #tpu.memory_space<semaphore_mem>>
    %dma_wait3A_43 = tpu.memref_squeeze %dma_wait3A_42 : memref<1x!tpu.dma_semaphore, #tpu.memory_space<semaphore_mem>> -> memref<!tpu.dma_semaphore, #tpu.memory_space<semaphore_mem>>
    tpu.wait_dma2 semaphore(%dma_wait3A_43 : memref<!tpu.dma_semaphore, #tpu.memory_space<semaphore_mem>>) src(%arg6 : memref<8192xf32, #tpu.memory_space<hbm>>) dst(%arg13 : memref<8192xf32, #tpu.memory_space<vmem>>)
    %scan3A = arith.constant 0 : i32
    %scan3A_44 = arith.constant 16 : i32
    %scan3A_45 = arith.addi %scan3A, %scan3A_44 : i32
    %scan3A_46 = arith.constant 1 : i32
    scf.for %scan3A_82 = %scan3A to %scan3A_45 step %scan3A_46  : i32 {
      %rem3A = arith.constant 2 : i32
      %rem3A_83 = arith.remsi %scan3A_82, %rem3A : i32
      %mul3A_84 = arith.constant 8 : i32
      %mul3A_85 = arith.muli %scan3A_82, %mul3A_84 : i32
      %add3A_86 = arith.addi %mul3A_2, %mul3A_85 : i32
      %mul3A_87 = arith.constant 8 : i32
      %mul3A_88 = arith.muli %rem3A_83, %mul3A_87 : i32
      %dma_wait3A_89 = arith.constant 0 : i32
      %dma_wait3A_90 = tpu.memref_slice %arg14[%mul3A_88, %dma_wait3A_89] : memref<16x4096xf32, #tpu.memory_space<vmem>> -> memref<8x4096xf32, #tpu.memory_space<vmem>>
      %dma_wait3A_91 = arith.constant 0 : i32
      %dma_wait3A_92 = tpu.memref_slice %arg2[%add3A_86, %dma_wait3A_91] : memref<4096x4096xf32, #tpu.memory_space<hbm>> -> memref<8x4096xf32, #tpu.memory_space<hbm>>
      %dma_wait3A_93 = tpu.memref_slice %arg16[%rem3A_83] : memref<2x!tpu.dma_semaphore, #tpu.memory_space<semaphore_mem>> -> memref<1x!tpu.dma_semaphore, #tpu.memory_space<semaphore_mem>>
      %dma_wait3A_94 = tpu.memref_squeeze %dma_wait3A_93 : memref<1x!tpu.dma_semaphore, #tpu.memory_space<semaphore_mem>> -> memref<!tpu.dma_semaphore, #tpu.memory_space<semaphore_mem>>
      %dma_wait3A_95 = arith.constant 0 : i32
      %dma_wait3A_96 = tpu.memref_slice %arg14[%mul3A_88, %dma_wait3A_95] : memref<16x4096xf32, #tpu.memory_space<vmem>> -> memref<8x4096xf32, #tpu.memory_space<vmem>>
      %dma_wait3A_97 = arith.constant 0 : i32
      %dma_wait3A_98 = tpu.memref_slice %arg2[%add3A_86, %dma_wait3A_97] : memref<4096x4096xf32, #tpu.memory_space<hbm>> -> memref<8x4096xf32, #tpu.memory_space<hbm>>
      tpu.wait_dma2 semaphore(%dma_wait3A_94 : memref<!tpu.dma_semaphore, #tpu.memory_space<semaphore_mem>>) src(%dma_wait3A_98 : memref<8x4096xf32, #tpu.memory_space<hbm>>) dst(%dma_wait3A_96 : memref<8x4096xf32, #tpu.memory_space<vmem>>)
      %add3A_99 = arith.constant 1 : i32
      %add3A_100 = arith.addi %scan3A_82, %add3A_99 : i32
      %lt3A = arith.constant 16 : i32
      %lt3A_101 = arith.cmpi slt, %add3A_100, %lt3A : i32
      %convert_element_type3A = arith.extui %lt3A_101 : i1 to i32
      %cond3A = arith.constant 0 : i32
      %cond3A_102 = arith.cmpi ne, %convert_element_type3A, %cond3A : i32
      scf.if %cond3A_102 {
        %add3A_147 = arith.constant 1 : i32
        %add3A_148 = arith.addi %scan3A_82, %add3A_147 : i32
        %rem3A_149 = arith.constant 2 : i32
        %rem3A_150 = arith.remsi %add3A_148, %rem3A_149 : i32
        %add3A_151 = arith.constant 8 : i32
        %add3A_152 = arith.addi %add3A_86, %add3A_151 : i32
        %mul3A_153 = arith.constant 8 : i32
        %mul3A_154 = arith.muli %rem3A_150, %mul3A_153 : i32
        %dma_start3A_155 = arith.constant 0 : i32
        %dma_start3A_156 = tpu.memref_slice %arg14[%mul3A_154, %dma_start3A_155] : memref<16x4096xf32, #tpu.memory_space<vmem>> -> memref<8x4096xf32, #tpu.memory_space<vmem>>
        %dma_start3A_157 = arith.constant 0 : i32
        %dma_start3A_158 = tpu.memref_slice %arg2[%add3A_152, %dma_start3A_157] : memref<4096x4096xf32, #tpu.memory_space<hbm>> -> memref<8x4096xf32, #tpu.memory_space<hbm>>
        %dma_start3A_159 = tpu.memref_slice %arg16[%rem3A_150] : memref<2x!tpu.dma_semaphore, #tpu.memory_space<semaphore_mem>> -> memref<1x!tpu.dma_semaphore, #tpu.memory_space<semaphore_mem>>
        %dma_start3A_160 = tpu.memref_squeeze %dma_start3A_159 : memref<1x!tpu.dma_semaphore, #tpu.memory_space<semaphore_mem>> -> memref<!tpu.dma_semaphore, #tpu.memory_space<semaphore_mem>>
        %dma_start3A_161 = arith.constant 0 : i32
        %dma_start3A_162 = tpu.memref_slice %arg14[%mul3A_154, %dma_start3A_161] : memref<16x4096xf32, #tpu.memory_space<vmem>> -> memref<8x4096xf32, #tpu.memory_space<vmem>>
        %dma_start3A_163 = arith.constant 0 : i32
        %dma_start3A_164 = tpu.memref_slice %arg2[%add3A_152, %dma_start3A_163] : memref<4096x4096xf32, #tpu.memory_space<hbm>> -> memref<8x4096xf32, #tpu.memory_space<hbm>>
        tpu.enqueue_dma source(%dma_start3A_164 : memref<8x4096xf32, #tpu.memory_space<hbm>>) target(%dma_start3A_162 : memref<8x4096xf32, #tpu.memory_space<vmem>>) target_semaphore(%dma_start3A_160 : memref<!tpu.dma_semaphore, #tpu.memory_space<semaphore_mem>>)
      } else {
      }
      %mul3A_103 = arith.constant 8 : i32
      %mul3A_104 = arith.muli %rem3A_83, %mul3A_103 : i32
      %add3A_105 = arith.constant 0 : i32
      %add3A_106 = arith.addi %mul3A_104, %add3A_105 : i32
      %broadcast_in_dim3A = vector.broadcast %add3A_106 : i32 to vector<16xi32>
      %mul3A_107 = arith.constant 8 : i32
      %mul3A_108 = arith.muli %rem3A_83, %mul3A_107 : i32
      %add3A_109 = arith.constant 1 : i32
      %add3A_110 = arith.addi %mul3A_108, %add3A_109 : i32
      %broadcast_in_dim3A_111 = vector.broadcast %add3A_110 : i32 to vector<16xi32>
      %mul3A_112 = arith.constant 8 : i32
      %mul3A_113 = arith.muli %rem3A_83, %mul3A_112 : i32
      %add3A_114 = arith.constant 2 : i32
      %add3A_115 = arith.addi %mul3A_113, %add3A_114 : i32
      %broadcast_in_dim3A_116 = vector.broadcast %add3A_115 : i32 to vector<16xi32>
      %mul3A_117 = arith.constant 8 : i32
      %mul3A_118 = arith.muli %rem3A_83, %mul3A_117 : i32
      %add3A_119 = arith.constant 3 : i32
      %add3A_120 = arith.addi %mul3A_118, %add3A_119 : i32
      %broadcast_in_dim3A_121 = vector.broadcast %add3A_120 : i32 to vector<16xi32>
      %mul3A_122 = arith.constant 8 : i32
      %mul3A_123 = arith.muli %rem3A_83, %mul3A_122 : i32
      %add3A_124 = arith.constant 4 : i32
      %add3A_125 = arith.addi %mul3A_123, %add3A_124 : i32
      %broadcast_in_dim3A_126 = vector.broadcast %add3A_125 : i32 to vector<16xi32>
      %mul3A_127 = arith.constant 8 : i32
      %mul3A_128 = arith.muli %rem3A_83, %mul3A_127 : i32
      %add3A_129 = arith.constant 5 : i32
      %add3A_130 = arith.addi %mul3A_128, %add3A_129 : i32
      %broadcast_in_dim3A_131 = vector.broadcast %add3A_130 : i32 to vector<16xi32>
      %mul3A_132 = arith.constant 8 : i32
      %mul3A_133 = arith.muli %rem3A_83, %mul3A_132 : i32
      %add3A_134 = arith.constant 6 : i32
      %add3A_135 = arith.addi %mul3A_133, %add3A_134 : i32
      %broadcast_in_dim3A_136 = vector.broadcast %add3A_135 : i32 to vector<16xi32>
      %mul3A_137 = arith.constant 8 : i32
      %mul3A_138 = arith.muli %rem3A_83, %mul3A_137 : i32
      %add3A_139 = arith.constant 7 : i32
      %add3A_140 = arith.addi %mul3A_138, %add3A_139 : i32
      %broadcast_in_dim3A_141 = vector.broadcast %add3A_140 : i32 to vector<16xi32>
      %scan3A_142 = arith.constant 0 : i32
      %scan3A_143 = arith.constant 8 : i32
      %scan3A_144 = arith.addi %scan3A_142, %scan3A_143 : i32
      %scan3A_145 = arith.constant 1 : i32
      scf.for %scan3A_147 = %scan3A_142 to %scan3A_144 step %scan3A_145  : i32 {
        %mul3A_148 = arith.constant 8 : i32
        %mul3A_149 = arith.muli %scan3A_82, %mul3A_148 : i32
        %add3A_150 = arith.addi %mul3A_149, %scan3A_147 : i32
        %rem3A_151 = arith.constant 2 : i32
        %rem3A_152 = arith.remsi %scan3A_147, %rem3A_151 : i32
        %ge3A = arith.constant 2 : i32
        %ge3A_153 = arith.cmpi sge, %add3A_150, %ge3A : i32
        %convert_element_type3A_154 = arith.extui %ge3A_153 : i1 to i32
        %cond3A_155 = arith.constant 0 : i32
        %cond3A_156 = arith.cmpi ne, %convert_element_type3A_154, %cond3A_155 : i32
        scf.if %cond3A_156 {
          %sub3A = arith.constant 2 : i32
          %sub3A_173 = arith.subi %add3A_150, %sub3A : i32
          %jit3A = arith.constant 8 : i32
          %div3A = arith.divsi %sub3A_173, %jit3A : i32
          %sign3A = arith.constant 0 : i32
          %sign3A_174 = arith.cmpi sgt, %sub3A_173, %sign3A : i32
          %sign3A_175 = arith.extui %sign3A_174 : i1 to i32
          %sign3A_176 = arith.constant 0 : i32
          %sign3A_177 = arith.cmpi slt, %sub3A_173, %sign3A_176 : i32
          %sign3A_178 = arith.extui %sign3A_177 : i1 to i32
          %sign3A_179 = arith.subi %sign3A_175, %sign3A_178 : i32
          %sign3A_180 = arith.constant 0 : i32
          %sign3A_181 = arith.cmpi sgt, %jit3A, %sign3A_180 : i32
          %sign3A_182 = arith.extui %sign3A_181 : i1 to i32
          %sign3A_183 = arith.constant 0 : i32
          %sign3A_184 = arith.cmpi slt, %jit3A, %sign3A_183 : i32
          %sign3A_185 = arith.extui %sign3A_184 : i1 to i32
          %sign3A_186 = arith.subi %sign3A_182, %sign3A_185 : i32
          %ne3A = arith.cmpi ne, %sign3A_179, %sign3A_186 : i32
          %rem3A_187 = arith.remsi %sub3A_173, %jit3A : i32
          %ne3A_188 = arith.constant 0 : i32
          %ne3A_189 = arith.cmpi ne, %rem3A_187, %ne3A_188 : i32
          %and3A = arith.andi %ne3A, %ne3A_189 : i1
          %sub3A_190 = arith.constant 1 : i32
          %sub3A_191 = arith.subi %div3A, %sub3A_190 : i32
          %select_n3A = arith.select %and3A, %sub3A_191, %div3A : i32
          %rem3A_192 = arith.constant 8 : i32
          %rem3A_193 = arith.remsi %sub3A_173, %rem3A_192 : i32
          %mul3A_194 = arith.constant 8 : i32
          %mul3A_195 = arith.muli %select_n3A, %mul3A_194 : i32
          %add3A_196 = arith.addi %mul3A_2, %mul3A_195 : i32
          %mul3A_197 = arith.constant 1024 : i32
          %mul3A_198 = arith.muli %rem3A_193, %mul3A_197 : i32
          %dma_wait3A_199 = arith.constant 0 : i32
          %dma_wait3A_200 = arith.constant 0 : i32
          %dma_wait3A_201 = tpu.memref_slice %arg15[%rem3A_152, %dma_wait3A_199, %dma_wait3A_200] : memref<2x8x1024xf32, #tpu.memory_space<vmem>> -> memref<1x8x1024xf32, #tpu.memory_space<vmem>>
          %dma_wait3A_202 = tpu.memref_squeeze %dma_wait3A_201 : memref<1x8x1024xf32, #tpu.memory_space<vmem>> -> memref<8x1024xf32, #tpu.memory_space<vmem>>
          %dma_wait3A_203 = tpu.memref_slice %arg8[%add3A_196, %mul3A_198] : memref<4096x8192xf32, #tpu.memory_space<hbm>> -> memref<8x1024xf32, #tpu.memory_space<hbm>>
          %dma_wait3A_204 = tpu.memref_slice %arg17[%rem3A_152] : memref<2x!tpu.dma_semaphore, #tpu.memory_space<semaphore_mem>> -> memref<1x!tpu.dma_semaphore, #tpu.memory_space<semaphore_mem>>
          %dma_wait3A_205 = tpu.memref_squeeze %dma_wait3A_204 : memref<1x!tpu.dma_semaphore, #tpu.memory_space<semaphore_mem>> -> memref<!tpu.dma_semaphore, #tpu.memory_space<semaphore_mem>>
          %dma_wait3A_206 = tpu.memref_slice %arg8[%add3A_196, %mul3A_198] : memref<4096x8192xf32, #tpu.memory_space<hbm>> -> memref<8x1024xf32, #tpu.memory_space<hbm>>
          %dma_wait3A_207 = arith.constant 0 : i32
          %dma_wait3A_208 = arith.constant 0 : i32
          %dma_wait3A_209 = tpu.memref_slice %arg15[%rem3A_152, %dma_wait3A_207, %dma_wait3A_208] : memref<2x8x1024xf32, #tpu.memory_space<vmem>> -> memref<1x8x1024xf32, #tpu.memory_space<vmem>>
          %dma_wait3A_210 = tpu.memref_squeeze %dma_wait3A_209 : memref<1x8x1024xf32, #tpu.memory_space<vmem>> -> memref<8x1024xf32, #tpu.memory_space<vmem>>
          tpu.wait_dma2 semaphore(%dma_wait3A_205 : memref<!tpu.dma_semaphore, #tpu.memory_space<semaphore_mem>>) src(%dma_wait3A_210 : memref<8x1024xf32, #tpu.memory_space<vmem>>) dst(%dma_wait3A_206 : memref<8x1024xf32, #tpu.memory_space<hbm>>)
        } else {
        }
        %parallel_loop3A = arith.constant 0 : i32
        %parallel_loop3A_157 = arith.constant 64 : i32
        %parallel_loop3A_158 = arith.constant 1 : i32
        scf.for %parallel_loop3A_173 = %parallel_loop3A to %parallel_loop3A_157 step %parallel_loop3A_158  : i32 {
          %parallel_loop3A_174 = arith.constant 1024 : i32
          %parallel_loop3A_175 = arith.muli %scan3A_147, %parallel_loop3A_174 : i32
          %parallel_loop3A_176 = arith.constant 16 : i32
          %parallel_loop3A_177 = arith.muli %parallel_loop3A_173, %parallel_loop3A_176 : i32
          %parallel_loop3A_178 = arith.addi %parallel_loop3A_175, %parallel_loop3A_177 : i32
          %parallel_loop3A_179 = arith.index_cast %parallel_loop3A_178 : i32 to index
          %parallel_loop3A_180 = tpu.vector_load %arg9[%parallel_loop3A_179] {strides = array<i32>} : memref<8192xi32, #tpu.memory_space<vmem>>, vector<16xi32>,
          %parallel_loop3A_181 = arith.constant 4095 : i32
          %parallel_loop3A_182 = vector.broadcast %parallel_loop3A_181 : i32 to vector<16xi32>
          %parallel_loop3A_183 = arith.andi %parallel_loop3A_180, %parallel_loop3A_182 : vector<16xi32>
          %parallel_loop3A_184 = arith.constant 12 : i32
          %parallel_loop3A_185 = vector.broadcast %parallel_loop3A_184 : i32 to vector<16xi32>
          %parallel_loop3A_186 = arith.shrsi %parallel_loop3A_180, %parallel_loop3A_185 : vector<16xi32>
          %parallel_loop3A_187 = arith.index_cast %parallel_loop3A_178 : i32 to index
          %parallel_loop3A_188 = tpu.vector_load %arg10[%parallel_loop3A_187] {strides = array<i32>} : memref<8192xf32, #tpu.memory_space<vmem>>, vector<16xf32>,
          %parallel_loop3A_189 = arith.index_cast %parallel_loop3A_178 : i32 to index
          %parallel_loop3A_190 = tpu.vector_load %arg11[%parallel_loop3A_189] {strides = array<i32>} : memref<8192xf32, #tpu.memory_space<vmem>>, vector<16xf32>,
          %parallel_loop3A_191 = arith.index_cast %parallel_loop3A_178 : i32 to index
          %parallel_loop3A_192 = tpu.vector_load %arg12[%parallel_loop3A_191] {strides = array<i32>} : memref<8192xf32, #tpu.memory_space<vmem>>, vector<16xf32>,
          %parallel_loop3A_193 = arith.index_cast %parallel_loop3A_178 : i32 to index
          %parallel_loop3A_194 = tpu.vector_load %arg13[%parallel_loop3A_193] {strides = array<i32>} : memref<8192xf32, #tpu.memory_space<vmem>>, vector<16xf32>,
          %parallel_loop3A_195 = tpu.vector_load_idx %arg14[%broadcast_in_dim3A, %parallel_loop3A_183] : memref<16x4096xf32, #tpu.memory_space<vmem>>[vector<16xi32>, vector<16xi32>], vector<16xf32>,
          %parallel_loop3A_196 = tpu.vector_load_idx %arg14[%broadcast_in_dim3A, %parallel_loop3A_186] : memref<16x4096xf32, #tpu.memory_space<vmem>>[vector<16xi32>, vector<16xi32>], vector<16xf32>,
          %parallel_loop3A_197 = tpu.vector_load_idx %arg14[%broadcast_in_dim3A_111, %parallel_loop3A_183] : memref<16x4096xf32, #tpu.memory_space<vmem>>[vector<16xi32>, vector<16xi32>], vector<16xf32>,
          %parallel_loop3A_198 = tpu.vector_load_idx %arg14[%broadcast_in_dim3A_111, %parallel_loop3A_186] : memref<16x4096xf32, #tpu.memory_space<vmem>>[vector<16xi32>, vector<16xi32>], vector<16xf32>,
          %parallel_loop3A_199 = tpu.vector_load_idx %arg14[%broadcast_in_dim3A_116, %parallel_loop3A_183] : memref<16x4096xf32, #tpu.memory_space<vmem>>[vector<16xi32>, vector<16xi32>], vector<16xf32>,
          %parallel_loop3A_200 = tpu.vector_load_idx %arg14[%broadcast_in_dim3A_116, %parallel_loop3A_186] : memref<16x4096xf32, #tpu.memory_space<vmem>>[vector<16xi32>, vector<16xi32>], vector<16xf32>,
          %parallel_loop3A_201 = tpu.vector_load_idx %arg14[%broadcast_in_dim3A_121, %parallel_loop3A_183] : memref<16x4096xf32, #tpu.memory_space<vmem>>[vector<16xi32>, vector<16xi32>], vector<16xf32>,
          %parallel_loop3A_202 = tpu.vector_load_idx %arg14[%broadcast_in_dim3A_121, %parallel_loop3A_186] : memref<16x4096xf32, #tpu.memory_space<vmem>>[vector<16xi32>, vector<16xi32>], vector<16xf32>,
          %parallel_loop3A_203 = tpu.vector_load_idx %arg14[%broadcast_in_dim3A_126, %parallel_loop3A_183] : memref<16x4096xf32, #tpu.memory_space<vmem>>[vector<16xi32>, vector<16xi32>], vector<16xf32>,
          %parallel_loop3A_204 = tpu.vector_load_idx %arg14[%broadcast_in_dim3A_126, %parallel_loop3A_186] : memref<16x4096xf32, #tpu.memory_space<vmem>>[vector<16xi32>, vector<16xi32>], vector<16xf32>,
          %parallel_loop3A_205 = tpu.vector_load_idx %arg14[%broadcast_in_dim3A_131, %parallel_loop3A_183] : memref<16x4096xf32, #tpu.memory_space<vmem>>[vector<16xi32>, vector<16xi32>], vector<16xf32>,
          %parallel_loop3A_206 = tpu.vector_load_idx %arg14[%broadcast_in_dim3A_131, %parallel_loop3A_186] : memref<16x4096xf32, #tpu.memory_space<vmem>>[vector<16xi32>, vector<16xi32>], vector<16xf32>,
          %parallel_loop3A_207 = tpu.vector_load_idx %arg14[%broadcast_in_dim3A_136, %parallel_loop3A_183] : memref<16x4096xf32, #tpu.memory_space<vmem>>[vector<16xi32>, vector<16xi32>], vector<16xf32>,
          %parallel_loop3A_208 = tpu.vector_load_idx %arg14[%broadcast_in_dim3A_136, %parallel_loop3A_186] : memref<16x4096xf32, #tpu.memory_space<vmem>>[vector<16xi32>, vector<16xi32>], vector<16xf32>,
          %parallel_loop3A_209 = tpu.vector_load_idx %arg14[%broadcast_in_dim3A_141, %parallel_loop3A_183] : memref<16x4096xf32, #tpu.memory_space<vmem>>[vector<16xi32>, vector<16xi32>], vector<16xf32>,
          %parallel_loop3A_210 = tpu.vector_load_idx %arg14[%broadcast_in_dim3A_141, %parallel_loop3A_186] : memref<16x4096xf32, #tpu.memory_space<vmem>>[vector<16xi32>, vector<16xi32>], vector<16xf32>,
          %parallel_loop3A_211 = arith.mulf %parallel_loop3A_195, %parallel_loop3A_190 : vector<16xf32>
          %parallel_loop3A_212 = arith.addf %parallel_loop3A_188, %parallel_loop3A_211 : vector<16xf32>
          %parallel_loop3A_213 = arith.mulf %parallel_loop3A_195, %parallel_loop3A_194 : vector<16xf32>
          %parallel_loop3A_214 = arith.addf %parallel_loop3A_192, %parallel_loop3A_213 : vector<16xf32>
          %parallel_loop3A_215 = arith.mulf %parallel_loop3A_196, %parallel_loop3A_214 : vector<16xf32>
          %parallel_loop3A_216 = arith.addf %parallel_loop3A_212, %parallel_loop3A_215 : vector<16xf32>
          %parallel_loop3A_217 = arith.constant 16 : i32
          %parallel_loop3A_218 = arith.muli %parallel_loop3A_173, %parallel_loop3A_217 : i32
          %parallel_loop3A_219 = arith.constant 0 : i32
          %parallel_loop3A_220 = arith.index_cast %rem3A_152 : i32 to index
          %parallel_loop3A_221 = arith.index_cast %parallel_loop3A_219 : i32 to index
          %parallel_loop3A_222 = arith.index_cast %parallel_loop3A_218 : i32 to index
          %parallel_loop3A_223 = tpu.vector_load %arg15[%parallel_loop3A_220, %parallel_loop3A_221, %parallel_loop3A_222] {strides = array<i32>} : memref<2x8x1024xf32, #tpu.memory_space<vmem>>, vector<16xf32>,
          tpu.vector_store %arg15[%parallel_loop3A_220, %parallel_loop3A_221, %parallel_loop3A_222], %parallel_loop3A_216 {strides = array<i32>} : memref<2x8x1024xf32, #tpu.memory_space<vmem>>, vector<16xf32>,
          %parallel_loop3A_224 = arith.mulf %parallel_loop3A_197, %parallel_loop3A_190 : vector<16xf32>
          %parallel_loop3A_225 = arith.addf %parallel_loop3A_188, %parallel_loop3A_224 : vector<16xf32>
          %parallel_loop3A_226 = arith.mulf %parallel_loop3A_197, %parallel_loop3A_194 : vector<16xf32>
          %parallel_loop3A_227 = arith.addf %parallel_loop3A_192, %parallel_loop3A_226 : vector<16xf32>
          %parallel_loop3A_228 = arith.mulf %parallel_loop3A_198, %parallel_loop3A_227 : vector<16xf32>
          %parallel_loop3A_229 = arith.addf %parallel_loop3A_225, %parallel_loop3A_228 : vector<16xf32>
          %parallel_loop3A_230 = arith.constant 16 : i32
          %parallel_loop3A_231 = arith.muli %parallel_loop3A_173, %parallel_loop3A_230 : i32
          %parallel_loop3A_232 = arith.constant 1 : i32
          %parallel_loop3A_233 = arith.index_cast %rem3A_152 : i32 to index
          %parallel_loop3A_234 = arith.index_cast %parallel_loop3A_232 : i32 to index
          %parallel_loop3A_235 = arith.index_cast %parallel_loop3A_231 : i32 to index
          %parallel_loop3A_236 = tpu.vector_load %arg15[%parallel_loop3A_233, %parallel_loop3A_234, %parallel_loop3A_235] {strides = array<i32>} : memref<2x8x1024xf32, #tpu.memory_space<vmem>>, vector<16xf32>,
          tpu.vector_store %arg15[%parallel_loop3A_233, %parallel_loop3A_234, %parallel_loop3A_235], %parallel_loop3A_229 {strides = array<i32>} : memref<2x8x1024xf32, #tpu.memory_space<vmem>>, vector<16xf32>,
          %parallel_loop3A_237 = arith.mulf %parallel_loop3A_199, %parallel_loop3A_190 : vector<16xf32>
          %parallel_loop3A_238 = arith.addf %parallel_loop3A_188, %parallel_loop3A_237 : vector<16xf32>
          %parallel_loop3A_239 = arith.mulf %parallel_loop3A_199, %parallel_loop3A_194 : vector<16xf32>
          %parallel_loop3A_240 = arith.addf %parallel_loop3A_192, %parallel_loop3A_239 : vector<16xf32>
          %parallel_loop3A_241 = arith.mulf %parallel_loop3A_200, %parallel_loop3A_240 : vector<16xf32>
          %parallel_loop3A_242 = arith.addf %parallel_loop3A_238, %parallel_loop3A_241 : vector<16xf32>
          %parallel_loop3A_243 = arith.constant 16 : i32
          %parallel_loop3A_244 = arith.muli %parallel_loop3A_173, %parallel_loop3A_243 : i32
          %parallel_loop3A_245 = arith.constant 2 : i32
          %parallel_loop3A_246 = arith.index_cast %rem3A_152 : i32 to index
          %parallel_loop3A_247 = arith.index_cast %parallel_loop3A_245 : i32 to index
          %parallel_loop3A_248 = arith.index_cast %parallel_loop3A_244 : i32 to index
          %parallel_loop3A_249 = tpu.vector_load %arg15[%parallel_loop3A_246, %parallel_loop3A_247, %parallel_loop3A_248] {strides = array<i32>} : memref<2x8x1024xf32, #tpu.memory_space<vmem>>, vector<16xf32>,
          tpu.vector_store %arg15[%parallel_loop3A_246, %parallel_loop3A_247, %parallel_loop3A_248], %parallel_loop3A_242 {strides = array<i32>} : memref<2x8x1024xf32, #tpu.memory_space<vmem>>, vector<16xf32>,
          %parallel_loop3A_250 = arith.mulf %parallel_loop3A_201, %parallel_loop3A_190 : vector<16xf32>
          %parallel_loop3A_251 = arith.addf %parallel_loop3A_188, %parallel_loop3A_250 : vector<16xf32>
          %parallel_loop3A_252 = arith.mulf %parallel_loop3A_201, %parallel_loop3A_194 : vector<16xf32>
          %parallel_loop3A_253 = arith.addf %parallel_loop3A_192, %parallel_loop3A_252 : vector<16xf32>
          %parallel_loop3A_254 = arith.mulf %parallel_loop3A_202, %parallel_loop3A_253 : vector<16xf32>
          %parallel_loop3A_255 = arith.addf %parallel_loop3A_251, %parallel_loop3A_254 : vector<16xf32>
          %parallel_loop3A_256 = arith.constant 16 : i32
          %parallel_loop3A_257 = arith.muli %parallel_loop3A_173, %parallel_loop3A_256 : i32
          %parallel_loop3A_258 = arith.constant 3 : i32
          %parallel_loop3A_259 = arith.index_cast %rem3A_152 : i32 to index
          %parallel_loop3A_260 = arith.index_cast %parallel_loop3A_258 : i32 to index
          %parallel_loop3A_261 = arith.index_cast %parallel_loop3A_257 : i32 to index
          %parallel_loop3A_262 = tpu.vector_load %arg15[%parallel_loop3A_259, %parallel_loop3A_260, %parallel_loop3A_261] {strides = array<i32>} : memref<2x8x1024xf32, #tpu.memory_space<vmem>>, vector<16xf32>,
          tpu.vector_store %arg15[%parallel_loop3A_259, %parallel_loop3A_260, %parallel_loop3A_261], %parallel_loop3A_255 {strides = array<i32>} : memref<2x8x1024xf32, #tpu.memory_space<vmem>>, vector<16xf32>,
          %parallel_loop3A_263 = arith.mulf %parallel_loop3A_203, %parallel_loop3A_190 : vector<16xf32>
          %parallel_loop3A_264 = arith.addf %parallel_loop3A_188, %parallel_loop3A_263 : vector<16xf32>
          %parallel_loop3A_265 = arith.mulf %parallel_loop3A_203, %parallel_loop3A_194 : vector<16xf32>
          %parallel_loop3A_266 = arith.addf %parallel_loop3A_192, %parallel_loop3A_265 : vector<16xf32>
          %parallel_loop3A_267 = arith.mulf %parallel_loop3A_204, %parallel_loop3A_266 : vector<16xf32>
          %parallel_loop3A_268 = arith.addf %parallel_loop3A_264, %parallel_loop3A_267 : vector<16xf32>
          %parallel_loop3A_269 = arith.constant 16 : i32
          %parallel_loop3A_270 = arith.muli %parallel_loop3A_173, %parallel_loop3A_269 : i32
          %parallel_loop3A_271 = arith.constant 4 : i32
          %parallel_loop3A_272 = arith.index_cast %rem3A_152 : i32 to index
          %parallel_loop3A_273 = arith.index_cast %parallel_loop3A_271 : i32 to index
          %parallel_loop3A_274 = arith.index_cast %parallel_loop3A_270 : i32 to index
          %parallel_loop3A_275 = tpu.vector_load %arg15[%parallel_loop3A_272, %parallel_loop3A_273, %parallel_loop3A_274] {strides = array<i32>} : memref<2x8x1024xf32, #tpu.memory_space<vmem>>, vector<16xf32>,
          tpu.vector_store %arg15[%parallel_loop3A_272, %parallel_loop3A_273, %parallel_loop3A_274], %parallel_loop3A_268 {strides = array<i32>} : memref<2x8x1024xf32, #tpu.memory_space<vmem>>, vector<16xf32>,
          %parallel_loop3A_276 = arith.mulf %parallel_loop3A_205, %parallel_loop3A_190 : vector<16xf32>
          %parallel_loop3A_277 = arith.addf %parallel_loop3A_188, %parallel_loop3A_276 : vector<16xf32>
          %parallel_loop3A_278 = arith.mulf %parallel_loop3A_205, %parallel_loop3A_194 : vector<16xf32>
          %parallel_loop3A_279 = arith.addf %parallel_loop3A_192, %parallel_loop3A_278 : vector<16xf32>
          %parallel_loop3A_280 = arith.mulf %parallel_loop3A_206, %parallel_loop3A_279 : vector<16xf32>
          %parallel_loop3A_281 = arith.addf %parallel_loop3A_277, %parallel_loop3A_280 : vector<16xf32>
          %parallel_loop3A_282 = arith.constant 16 : i32
          %parallel_loop3A_283 = arith.muli %parallel_loop3A_173, %parallel_loop3A_282 : i32
          %parallel_loop3A_284 = arith.constant 5 : i32
          %parallel_loop3A_285 = arith.index_cast %rem3A_152 : i32 to index
          %parallel_loop3A_286 = arith.index_cast %parallel_loop3A_284 : i32 to index
          %parallel_loop3A_287 = arith.index_cast %parallel_loop3A_283 : i32 to index
          %parallel_loop3A_288 = tpu.vector_load %arg15[%parallel_loop3A_285, %parallel_loop3A_286, %parallel_loop3A_287] {strides = array<i32>} : memref<2x8x1024xf32, #tpu.memory_space<vmem>>, vector<16xf32>,
          tpu.vector_store %arg15[%parallel_loop3A_285, %parallel_loop3A_286, %parallel_loop3A_287], %parallel_loop3A_281 {strides = array<i32>} : memref<2x8x1024xf32, #tpu.memory_space<vmem>>, vector<16xf32>,
          %parallel_loop3A_289 = arith.mulf %parallel_loop3A_207, %parallel_loop3A_190 : vector<16xf32>
          %parallel_loop3A_290 = arith.addf %parallel_loop3A_188, %parallel_loop3A_289 : vector<16xf32>
          %parallel_loop3A_291 = arith.mulf %parallel_loop3A_207, %parallel_loop3A_194 : vector<16xf32>
          %parallel_loop3A_292 = arith.addf %parallel_loop3A_192, %parallel_loop3A_291 : vector<16xf32>
          %parallel_loop3A_293 = arith.mulf %parallel_loop3A_208, %parallel_loop3A_292 : vector<16xf32>
          %parallel_loop3A_294 = arith.addf %parallel_loop3A_290, %parallel_loop3A_293 : vector<16xf32>
          %parallel_loop3A_295 = arith.constant 16 : i32
          %parallel_loop3A_296 = arith.muli %parallel_loop3A_173, %parallel_loop3A_295 : i32
          %parallel_loop3A_297 = arith.constant 6 : i32
          %parallel_loop3A_298 = arith.index_cast %rem3A_152 : i32 to index
          %parallel_loop3A_299 = arith.index_cast %parallel_loop3A_297 : i32 to index
          %parallel_loop3A_300 = arith.index_cast %parallel_loop3A_296 : i32 to index
          %parallel_loop3A_301 = tpu.vector_load %arg15[%parallel_loop3A_298, %parallel_loop3A_299, %parallel_loop3A_300] {strides = array<i32>} : memref<2x8x1024xf32, #tpu.memory_space<vmem>>, vector<16xf32>,
          tpu.vector_store %arg15[%parallel_loop3A_298, %parallel_loop3A_299, %parallel_loop3A_300], %parallel_loop3A_294 {strides = array<i32>} : memref<2x8x1024xf32, #tpu.memory_space<vmem>>, vector<16xf32>,
          %parallel_loop3A_302 = arith.mulf %parallel_loop3A_209, %parallel_loop3A_190 : vector<16xf32>
          %parallel_loop3A_303 = arith.addf %parallel_loop3A_188, %parallel_loop3A_302 : vector<16xf32>
          %parallel_loop3A_304 = arith.mulf %parallel_loop3A_209, %parallel_loop3A_194 : vector<16xf32>
          %parallel_loop3A_305 = arith.addf %parallel_loop3A_192, %parallel_loop3A_304 : vector<16xf32>
          %parallel_loop3A_306 = arith.mulf %parallel_loop3A_210, %parallel_loop3A_305 : vector<16xf32>
          %parallel_loop3A_307 = arith.addf %parallel_loop3A_303, %parallel_loop3A_306 : vector<16xf32>
          %parallel_loop3A_308 = arith.constant 16 : i32
          %parallel_loop3A_309 = arith.muli %parallel_loop3A_173, %parallel_loop3A_308 : i32
          %parallel_loop3A_310 = arith.constant 7 : i32
          %parallel_loop3A_311 = arith.index_cast %rem3A_152 : i32 to index
          %parallel_loop3A_312 = arith.index_cast %parallel_loop3A_310 : i32 to index
          %parallel_loop3A_313 = arith.index_cast %parallel_loop3A_309 : i32 to index
          %parallel_loop3A_314 = tpu.vector_load %arg15[%parallel_loop3A_311, %parallel_loop3A_312, %parallel_loop3A_313] {strides = array<i32>} : memref<2x8x1024xf32, #tpu.memory_space<vmem>>, vector<16xf32>,
          tpu.vector_store %arg15[%parallel_loop3A_311, %parallel_loop3A_312, %parallel_loop3A_313], %parallel_loop3A_307 {strides = array<i32>} : memref<2x8x1024xf32, #tpu.memory_space<vmem>>, vector<16xf32>,
        } {sc.loop_unroll_factor = 2 : i64, sc.parallel_access}
        %mul3A_159 = arith.constant 1024 : i32
        %mul3A_160 = arith.muli %scan3A_147, %mul3A_159 : i32
        %dma_start3A_161 = arith.constant 0 : i32
        %dma_start3A_162 = arith.constant 0 : i32
        %dma_start3A_163 = tpu.memref_slice %arg15[%rem3A_152, %dma_start3A_161, %dma_start3A_162] : memref<2x8x1024xf32, #tpu.memory_space<vmem>> -> memref<1x8x1024xf32, #tpu.memory_space<vmem>>
        %dma_start3A_164 = tpu.memref_squeeze %dma_start3A_163 : memref<1x8x1024xf32, #tpu.memory_space<vmem>> -> memref<8x1024xf32, #tpu.memory_space<vmem>>
        %dma_start3A_165 = tpu.memref_slice %arg8[%add3A_86, %mul3A_160] : memref<4096x8192xf32, #tpu.memory_space<hbm>> -> memref<8x1024xf32, #tpu.memory_space<hbm>>
        %dma_start3A_166 = tpu.memref_slice %arg17[%rem3A_152] : memref<2x!tpu.dma_semaphore, #tpu.memory_space<semaphore_mem>> -> memref<1x!tpu.dma_semaphore, #tpu.memory_space<semaphore_mem>>
        %dma_start3A_167 = tpu.memref_squeeze %dma_start3A_166 : memref<1x!tpu.dma_semaphore, #tpu.memory_space<semaphore_mem>> -> memref<!tpu.dma_semaphore, #tpu.memory_space<semaphore_mem>>
        %dma_start3A_168 = tpu.memref_slice %arg8[%add3A_86, %mul3A_160] : memref<4096x8192xf32, #tpu.memory_space<hbm>> -> memref<8x1024xf32, #tpu.memory_space<hbm>>
        %dma_start3A_169 = arith.constant 0 : i32
        %dma_start3A_170 = arith.constant 0 : i32
        %dma_start3A_171 = tpu.memref_slice %arg15[%rem3A_152, %dma_start3A_169, %dma_start3A_170] : memref<2x8x1024xf32, #tpu.memory_space<vmem>> -> memref<1x8x1024xf32, #tpu.memory_space<vmem>>
        %dma_start3A_172 = tpu.memref_squeeze %dma_start3A_171 : memref<1x8x1024xf32, #tpu.memory_space<vmem>> -> memref<8x1024xf32, #tpu.memory_space<vmem>>
        tpu.enqueue_dma source(%dma_start3A_172 : memref<8x1024xf32, #tpu.memory_space<vmem>>) target(%dma_start3A_168 : memref<8x1024xf32, #tpu.memory_space<hbm>>) target_semaphore(%dma_start3A_167 : memref<!tpu.dma_semaphore, #tpu.memory_space<semaphore_mem>>)
      }
      %scan3A_146 = arith.constant 8 : i32
    }
    %scan3A_47 = arith.constant 16 : i32
    %add3A_48 = arith.constant 120 : i32
    %add3A_49 = arith.addi %mul3A_2, %add3A_48 : i32
    %dma_wait3A_50 = arith.constant 0 : i32
    %dma_wait3A_51 = arith.constant 0 : i32
    %dma_wait3A_52 = arith.constant 0 : i32
    %dma_wait3A_53 = arith.constant 0 : i32
    %dma_wait3A_54 = tpu.memref_slice %arg15[%dma_wait3A_50, %dma_wait3A_52, %dma_wait3A_53] : memref<2x8x1024xf32, #tpu.memory_space<vmem>> -> memref<1x8x1024xf32, #tpu.memory_space<vmem>>
    %dma_wait3A_55 = tpu.memref_squeeze %dma_wait3A_54 : memref<1x8x1024xf32, #tpu.memory_space<vmem>> -> memref<8x1024xf32, #tpu.memory_space<vmem>>
    %dma_wait3A_56 = arith.constant 6144 : i32
    %dma_wait3A_57 = tpu.memref_slice %arg8[%add3A_49, %dma_wait3A_56] : memref<4096x8192xf32, #tpu.memory_space<hbm>> -> memref<8x1024xf32, #tpu.memory_space<hbm>>
    %dma_wait3A_58 = tpu.memref_slice %arg17[%dma_wait3A_51] : memref<2x!tpu.dma_semaphore, #tpu.memory_space<semaphore_mem>> -> memref<1x!tpu.dma_semaphore, #tpu.memory_space<semaphore_mem>>
    %dma_wait3A_59 = tpu.memref_squeeze %dma_wait3A_58 : memref<1x!tpu.dma_semaphore, #tpu.memory_space<semaphore_mem>> -> memref<!tpu.dma_semaphore, #tpu.memory_space<semaphore_mem>>
    %dma_wait3A_60 = arith.constant 6144 : i32
    %dma_wait3A_61 = tpu.memref_slice %arg8[%add3A_49, %dma_wait3A_60] : memref<4096x8192xf32, #tpu.memory_space<hbm>> -> memref<8x1024xf32, #tpu.memory_space<hbm>>
    %dma_wait3A_62 = arith.constant 0 : i32
    %dma_wait3A_63 = arith.constant 0 : i32
    %dma_wait3A_64 = tpu.memref_slice %arg15[%dma_wait3A_50, %dma_wait3A_62, %dma_wait3A_63] : memref<2x8x1024xf32, #tpu.memory_space<vmem>> -> memref<1x8x1024xf32, #tpu.memory_space<vmem>>
    %dma_wait3A_65 = tpu.memref_squeeze %dma_wait3A_64 : memref<1x8x1024xf32, #tpu.memory_space<vmem>> -> memref<8x1024xf32, #tpu.memory_space<vmem>>
    tpu.wait_dma2 semaphore(%dma_wait3A_59 : memref<!tpu.dma_semaphore, #tpu.memory_space<semaphore_mem>>) src(%dma_wait3A_65 : memref<8x1024xf32, #tpu.memory_space<vmem>>) dst(%dma_wait3A_61 : memref<8x1024xf32, #tpu.memory_space<hbm>>)
    %dma_wait3A_66 = arith.constant 1 : i32
    %dma_wait3A_67 = arith.constant 1 : i32
    %dma_wait3A_68 = arith.constant 0 : i32
    %dma_wait3A_69 = arith.constant 0 : i32
    %dma_wait3A_70 = tpu.memref_slice %arg15[%dma_wait3A_66, %dma_wait3A_68, %dma_wait3A_69] : memref<2x8x1024xf32, #tpu.memory_space<vmem>> -> memref<1x8x1024xf32, #tpu.memory_space<vmem>>
    %dma_wait3A_71 = tpu.memref_squeeze %dma_wait3A_70 : memref<1x8x1024xf32, #tpu.memory_space<vmem>> -> memref<8x1024xf32, #tpu.memory_space<vmem>>
    %dma_wait3A_72 = arith.constant 7168 : i32
    %dma_wait3A_73 = tpu.memref_slice %arg8[%add3A_49, %dma_wait3A_72] : memref<4096x8192xf32, #tpu.memory_space<hbm>> -> memref<8x1024xf32, #tpu.memory_space<hbm>>
    %dma_wait3A_74 = tpu.memref_slice %arg17[%dma_wait3A_67] : memref<2x!tpu.dma_semaphore, #tpu.memory_space<semaphore_mem>> -> memref<1x!tpu.dma_semaphore, #tpu.memory_space<semaphore_mem>>
    %dma_wait3A_75 = tpu.memref_squeeze %dma_wait3A_74 : memref<1x!tpu.dma_semaphore, #tpu.memory_space<semaphore_mem>> -> memref<!tpu.dma_semaphore, #tpu.memory_space<semaphore_mem>>
    %dma_wait3A_76 = arith.constant 7168 : i32
    %dma_wait3A_77 = tpu.memref_slice %arg8[%add3A_49, %dma_wait3A_76] : memref<4096x8192xf32, #tpu.memory_space<hbm>> -> memref<8x1024xf32, #tpu.memory_space<hbm>>
    %dma_wait3A_78 = arith.constant 0 : i32
    %dma_wait3A_79 = arith.constant 0 : i32
    %dma_wait3A_80 = tpu.memref_slice %arg15[%dma_wait3A_66, %dma_wait3A_78, %dma_wait3A_79] : memref<2x8x1024xf32, #tpu.memory_space<vmem>> -> memref<1x8x1024xf32, #tpu.memory_space<vmem>>
    %dma_wait3A_81 = tpu.memref_squeeze %dma_wait3A_80 : memref<1x8x1024xf32, #tpu.memory_space<vmem>> -> memref<8x1024xf32, #tpu.memory_space<vmem>>
    tpu.wait_dma2 semaphore(%dma_wait3A_75 : memref<!tpu.dma_semaphore, #tpu.memory_space<semaphore_mem>>) src(%dma_wait3A_81 : memref<8x1024xf32, #tpu.memory_space<vmem>>) dst(%dma_wait3A_77 : memref<8x1024xf32, #tpu.memory_space<hbm>>)
    return
  }
}

module attributes {stable_mosaic.version = 14 : i64} {
  func.func @_coef_body(%arg0: memref<16x8192xf32, #tpu.memory_space<vmem>>, %arg1: memref<2x8192xi32, #tpu.memory_space<vmem>>, %arg2: memref<8192xf32, #tpu.memory_space<vmem>>, %arg3: memref<8192xf32, #tpu.memory_space<vmem>>, %arg4: memref<8192xf32, #tpu.memory_space<vmem>>, %arg5: memref<8192xf32, #tpu.memory_space<vmem>>, %arg6: memref<8192xi32, #tpu.memory_space<vmem>>) attributes {dimension_semantics = [], scalar_prefetch = 0 : i64, scratch_operands = 0 : i64, tpu.core_type = #tpu.core_type<tc>} {
    %get3A = arith.constant 0 : index
    %get3A_0 = arith.constant 0 : index
    %get3A_1 = vector.load %arg0[%get3A, %get3A_0] : memref<16x8192xf32, #tpu.memory_space<vmem>>, vector<16x8192xf32>
    %reduce_max3A = arith.constant dense<0xFF800000> : vector<8192xf32>
    %reduce_max3A_2 = vector.multi_reduction <maximumf>, %get3A_1, %reduce_max3A [0] : vector<16x8192xf32> to vector<8192xf32>
    %broadcast_in_dim3A = vector.shape_cast %reduce_max3A_2 : vector<8192xf32> to vector<1x8192xf32>
    %sub3A = vector.broadcast %broadcast_in_dim3A : vector<1x8192xf32> to vector<16x8192xf32>
    %sub3A_3 = arith.subf %get3A_1, %sub3A : vector<16x8192xf32>
    %exp3A = math.exp %sub3A_3 : vector<16x8192xf32>
    %reduce_sum3A = arith.constant dense<0.000000e+00> : vector<8192xf32>
    %reduce_sum3A_4 = vector.multi_reduction <add>, %exp3A, %reduce_sum3A [0] : vector<16x8192xf32> to vector<8192xf32>
    %div3A = arith.constant 1.000000e+00 : f32
    %div3A_5 = vector.broadcast %div3A : f32 to vector<8192xf32>
    %div3A_6 = arith.divf %div3A_5, %reduce_sum3A_4 : vector<8192xf32>
    %slice3A = vector.extract_strided_slice %exp3A {offsets = [8, 0], sizes = [1, 8192], strides = [1, 1]} : vector<16x8192xf32> to vector<1x8192xf32>
    %squeeze3A = vector.shape_cast %slice3A : vector<1x8192xf32> to vector<8192xf32>
    %slice3A_7 = vector.extract_strided_slice %exp3A {offsets = [9, 0], sizes = [1, 8192], strides = [1, 1]} : vector<16x8192xf32> to vector<1x8192xf32>
    %squeeze3A_8 = vector.shape_cast %slice3A_7 : vector<1x8192xf32> to vector<8192xf32>
    %add3A = arith.addf %squeeze3A, %squeeze3A_8 : vector<8192xf32>
    %slice3A_9 = vector.extract_strided_slice %exp3A {offsets = [10, 0], sizes = [1, 8192], strides = [1, 1]} : vector<16x8192xf32> to vector<1x8192xf32>
    %squeeze3A_10 = vector.shape_cast %slice3A_9 : vector<1x8192xf32> to vector<8192xf32>
    %add3A_11 = arith.addf %add3A, %squeeze3A_10 : vector<8192xf32>
    %slice3A_12 = vector.extract_strided_slice %exp3A {offsets = [11, 0], sizes = [1, 8192], strides = [1, 1]} : vector<16x8192xf32> to vector<1x8192xf32>
    %squeeze3A_13 = vector.shape_cast %slice3A_12 : vector<1x8192xf32> to vector<8192xf32>
    %add3A_14 = arith.addf %add3A_11, %squeeze3A_13 : vector<8192xf32>
    %slice3A_15 = vector.extract_strided_slice %exp3A {offsets = [12, 0], sizes = [1, 8192], strides = [1, 1]} : vector<16x8192xf32> to vector<1x8192xf32>
    %squeeze3A_16 = vector.shape_cast %slice3A_15 : vector<1x8192xf32> to vector<8192xf32>
    %add3A_17 = arith.addf %add3A_14, %squeeze3A_16 : vector<8192xf32>
    %slice3A_18 = vector.extract_strided_slice %exp3A {offsets = [13, 0], sizes = [1, 8192], strides = [1, 1]} : vector<16x8192xf32> to vector<1x8192xf32>
    %squeeze3A_19 = vector.shape_cast %slice3A_18 : vector<1x8192xf32> to vector<8192xf32>
    %add3A_20 = arith.addf %add3A_17, %squeeze3A_19 : vector<8192xf32>
    %slice3A_21 = vector.extract_strided_slice %exp3A {offsets = [14, 0], sizes = [1, 8192], strides = [1, 1]} : vector<16x8192xf32> to vector<1x8192xf32>
    %squeeze3A_22 = vector.shape_cast %slice3A_21 : vector<1x8192xf32> to vector<8192xf32>
    %add3A_23 = arith.addf %add3A_20, %squeeze3A_22 : vector<8192xf32>
    %slice3A_24 = vector.extract_strided_slice %exp3A {offsets = [15, 0], sizes = [1, 8192], strides = [1, 1]} : vector<16x8192xf32> to vector<1x8192xf32>
    %squeeze3A_25 = vector.shape_cast %slice3A_24 : vector<1x8192xf32> to vector<8192xf32>
    %add3A_26 = arith.addf %add3A_23, %squeeze3A_25 : vector<8192xf32>
    %mul3A = arith.mulf %add3A_26, %div3A_6 : vector<8192xf32>
    %swap3A = arith.constant 0 : index
    %swap3A_27 = vector.load %arg2[%swap3A] : memref<8192xf32, #tpu.memory_space<vmem>>, vector<8192xf32>
    tpu.vector_store %arg2[%swap3A], %mul3A {strides = array<i32>} : memref<8192xf32, #tpu.memory_space<vmem>>, vector<8192xf32>,
    %slice3A_28 = vector.extract_strided_slice %exp3A {offsets = [2, 0], sizes = [1, 8192], strides = [1, 1]} : vector<16x8192xf32> to vector<1x8192xf32>
    %squeeze3A_29 = vector.shape_cast %slice3A_28 : vector<1x8192xf32> to vector<8192xf32>
    %slice3A_30 = vector.extract_strided_slice %exp3A {offsets = [3, 0], sizes = [1, 8192], strides = [1, 1]} : vector<16x8192xf32> to vector<1x8192xf32>
    %squeeze3A_31 = vector.shape_cast %slice3A_30 : vector<1x8192xf32> to vector<8192xf32>
    %add3A_32 = arith.addf %squeeze3A_29, %squeeze3A_31 : vector<8192xf32>
    %slice3A_33 = vector.extract_strided_slice %exp3A {offsets = [6, 0], sizes = [1, 8192], strides = [1, 1]} : vector<16x8192xf32> to vector<1x8192xf32>
    %squeeze3A_34 = vector.shape_cast %slice3A_33 : vector<1x8192xf32> to vector<8192xf32>
    %add3A_35 = arith.addf %add3A_32, %squeeze3A_34 : vector<8192xf32>
    %slice3A_36 = vector.extract_strided_slice %exp3A {offsets = [7, 0], sizes = [1, 8192], strides = [1, 1]} : vector<16x8192xf32> to vector<1x8192xf32>
    %squeeze3A_37 = vector.shape_cast %slice3A_36 : vector<1x8192xf32> to vector<8192xf32>
    %add3A_38 = arith.addf %add3A_35, %squeeze3A_37 : vector<8192xf32>
    %slice3A_39 = vector.extract_strided_slice %exp3A {offsets = [8, 0], sizes = [1, 8192], strides = [1, 1]} : vector<16x8192xf32> to vector<1x8192xf32>
    %squeeze3A_40 = vector.shape_cast %slice3A_39 : vector<1x8192xf32> to vector<8192xf32>
    %sub3A_41 = arith.subf %add3A_38, %squeeze3A_40 : vector<8192xf32>
    %slice3A_42 = vector.extract_strided_slice %exp3A {offsets = [9, 0], sizes = [1, 8192], strides = [1, 1]} : vector<16x8192xf32> to vector<1x8192xf32>
    %squeeze3A_43 = vector.shape_cast %slice3A_42 : vector<1x8192xf32> to vector<8192xf32>
    %sub3A_44 = arith.subf %sub3A_41, %squeeze3A_43 : vector<8192xf32>
    %slice3A_45 = vector.extract_strided_slice %exp3A {offsets = [12, 0], sizes = [1, 8192], strides = [1, 1]} : vector<16x8192xf32> to vector<1x8192xf32>
    %squeeze3A_46 = vector.shape_cast %slice3A_45 : vector<1x8192xf32> to vector<8192xf32>
    %sub3A_47 = arith.subf %sub3A_44, %squeeze3A_46 : vector<8192xf32>
    %slice3A_48 = vector.extract_strided_slice %exp3A {offsets = [13, 0], sizes = [1, 8192], strides = [1, 1]} : vector<16x8192xf32> to vector<1x8192xf32>
    %squeeze3A_49 = vector.shape_cast %slice3A_48 : vector<1x8192xf32> to vector<8192xf32>
    %sub3A_50 = arith.subf %sub3A_47, %squeeze3A_49 : vector<8192xf32>
    %mul3A_51 = arith.mulf %sub3A_50, %div3A_6 : vector<8192xf32>
    %swap3A_52 = arith.constant 0 : index
    %swap3A_53 = vector.load %arg3[%swap3A_52] : memref<8192xf32, #tpu.memory_space<vmem>>, vector<8192xf32>
    tpu.vector_store %arg3[%swap3A_52], %mul3A_51 {strides = array<i32>} : memref<8192xf32, #tpu.memory_space<vmem>>, vector<8192xf32>,
    %slice3A_54 = vector.extract_strided_slice %exp3A {offsets = [4, 0], sizes = [1, 8192], strides = [1, 1]} : vector<16x8192xf32> to vector<1x8192xf32>
    %squeeze3A_55 = vector.shape_cast %slice3A_54 : vector<1x8192xf32> to vector<8192xf32>
    %slice3A_56 = vector.extract_strided_slice %exp3A {offsets = [5, 0], sizes = [1, 8192], strides = [1, 1]} : vector<16x8192xf32> to vector<1x8192xf32>
    %squeeze3A_57 = vector.shape_cast %slice3A_56 : vector<1x8192xf32> to vector<8192xf32>
    %add3A_58 = arith.addf %squeeze3A_55, %squeeze3A_57 : vector<8192xf32>
    %slice3A_59 = vector.extract_strided_slice %exp3A {offsets = [6, 0], sizes = [1, 8192], strides = [1, 1]} : vector<16x8192xf32> to vector<1x8192xf32>
    %squeeze3A_60 = vector.shape_cast %slice3A_59 : vector<1x8192xf32> to vector<8192xf32>
    %add3A_61 = arith.addf %add3A_58, %squeeze3A_60 : vector<8192xf32>
    %slice3A_62 = vector.extract_strided_slice %exp3A {offsets = [7, 0], sizes = [1, 8192], strides = [1, 1]} : vector<16x8192xf32> to vector<1x8192xf32>
    %squeeze3A_63 = vector.shape_cast %slice3A_62 : vector<1x8192xf32> to vector<8192xf32>
    %add3A_64 = arith.addf %add3A_61, %squeeze3A_63 : vector<8192xf32>
    %slice3A_65 = vector.extract_strided_slice %exp3A {offsets = [8, 0], sizes = [1, 8192], strides = [1, 1]} : vector<16x8192xf32> to vector<1x8192xf32>
    %squeeze3A_66 = vector.shape_cast %slice3A_65 : vector<1x8192xf32> to vector<8192xf32>
    %sub3A_67 = arith.subf %add3A_64, %squeeze3A_66 : vector<8192xf32>
    %slice3A_68 = vector.extract_strided_slice %exp3A {offsets = [9, 0], sizes = [1, 8192], strides = [1, 1]} : vector<16x8192xf32> to vector<1x8192xf32>
    %squeeze3A_69 = vector.shape_cast %slice3A_68 : vector<1x8192xf32> to vector<8192xf32>
    %sub3A_70 = arith.subf %sub3A_67, %squeeze3A_69 : vector<8192xf32>
    %slice3A_71 = vector.extract_strided_slice %exp3A {offsets = [10, 0], sizes = [1, 8192], strides = [1, 1]} : vector<16x8192xf32> to vector<1x8192xf32>
    %squeeze3A_72 = vector.shape_cast %slice3A_71 : vector<1x8192xf32> to vector<8192xf32>
    %sub3A_73 = arith.subf %sub3A_70, %squeeze3A_72 : vector<8192xf32>
    %slice3A_74 = vector.extract_strided_slice %exp3A {offsets = [11, 0], sizes = [1, 8192], strides = [1, 1]} : vector<16x8192xf32> to vector<1x8192xf32>
    %squeeze3A_75 = vector.shape_cast %slice3A_74 : vector<1x8192xf32> to vector<8192xf32>
    %sub3A_76 = arith.subf %sub3A_73, %squeeze3A_75 : vector<8192xf32>
    %mul3A_77 = arith.mulf %sub3A_76, %div3A_6 : vector<8192xf32>
    %swap3A_78 = arith.constant 0 : index
    %swap3A_79 = vector.load %arg4[%swap3A_78] : memref<8192xf32, #tpu.memory_space<vmem>>, vector<8192xf32>
    tpu.vector_store %arg4[%swap3A_78], %mul3A_77 {strides = array<i32>} : memref<8192xf32, #tpu.memory_space<vmem>>, vector<8192xf32>,
    %slice3A_80 = vector.extract_strided_slice %exp3A {offsets = [1, 0], sizes = [1, 8192], strides = [1, 1]} : vector<16x8192xf32> to vector<1x8192xf32>
    %squeeze3A_81 = vector.shape_cast %slice3A_80 : vector<1x8192xf32> to vector<8192xf32>
    %slice3A_82 = vector.extract_strided_slice %exp3A {offsets = [2, 0], sizes = [1, 8192], strides = [1, 1]} : vector<16x8192xf32> to vector<1x8192xf32>
    %squeeze3A_83 = vector.shape_cast %slice3A_82 : vector<1x8192xf32> to vector<8192xf32>
    %sub3A_84 = arith.subf %squeeze3A_81, %squeeze3A_83 : vector<8192xf32>
    %slice3A_85 = vector.extract_strided_slice %exp3A {offsets = [4, 0], sizes = [1, 8192], strides = [1, 1]} : vector<16x8192xf32> to vector<1x8192xf32>
    %squeeze3A_86 = vector.shape_cast %slice3A_85 : vector<1x8192xf32> to vector<8192xf32>
    %sub3A_87 = arith.subf %sub3A_84, %squeeze3A_86 : vector<8192xf32>
    %slice3A_88 = vector.extract_strided_slice %exp3A {offsets = [6, 0], sizes = [1, 8192], strides = [1, 1]} : vector<16x8192xf32> to vector<1x8192xf32>
    %squeeze3A_89 = vector.shape_cast %slice3A_88 : vector<1x8192xf32> to vector<8192xf32>
    %mul3A_90 = arith.constant 2.000000e+00 : f32
    %mul3A_91 = vector.broadcast %mul3A_90 : f32 to vector<8192xf32>
    %mul3A_92 = arith.mulf %mul3A_91, %squeeze3A_89 : vector<8192xf32>
    %sub3A_93 = arith.subf %sub3A_87, %mul3A_92 : vector<8192xf32>
    %slice3A_94 = vector.extract_strided_slice %exp3A {offsets = [7, 0], sizes = [1, 8192], strides = [1, 1]} : vector<16x8192xf32> to vector<1x8192xf32>
    %squeeze3A_95 = vector.shape_cast %slice3A_94 : vector<1x8192xf32> to vector<8192xf32>
    %sub3A_96 = arith.subf %sub3A_93, %squeeze3A_95 : vector<8192xf32>
    %slice3A_97 = vector.extract_strided_slice %exp3A {offsets = [8, 0], sizes = [1, 8192], strides = [1, 1]} : vector<16x8192xf32> to vector<1x8192xf32>
    %squeeze3A_98 = vector.shape_cast %slice3A_97 : vector<1x8192xf32> to vector<8192xf32>
    %add3A_99 = arith.addf %sub3A_96, %squeeze3A_98 : vector<8192xf32>
    %slice3A_100 = vector.extract_strided_slice %exp3A {offsets = [9, 0], sizes = [1, 8192], strides = [1, 1]} : vector<16x8192xf32> to vector<1x8192xf32>
    %squeeze3A_101 = vector.shape_cast %slice3A_100 : vector<1x8192xf32> to vector<8192xf32>
    %mul3A_102 = arith.constant 2.000000e+00 : f32
    %mul3A_103 = vector.broadcast %mul3A_102 : f32 to vector<8192xf32>
    %mul3A_104 = arith.mulf %mul3A_103, %squeeze3A_101 : vector<8192xf32>
    %add3A_105 = arith.addf %add3A_99, %mul3A_104 : vector<8192xf32>
    %slice3A_106 = vector.extract_strided_slice %exp3A {offsets = [11, 0], sizes = [1, 8192], strides = [1, 1]} : vector<16x8192xf32> to vector<1x8192xf32>
    %squeeze3A_107 = vector.shape_cast %slice3A_106 : vector<1x8192xf32> to vector<8192xf32>
    %add3A_108 = arith.addf %add3A_105, %squeeze3A_107 : vector<8192xf32>
    %slice3A_109 = vector.extract_strided_slice %exp3A {offsets = [13, 0], sizes = [1, 8192], strides = [1, 1]} : vector<16x8192xf32> to vector<1x8192xf32>
    %squeeze3A_110 = vector.shape_cast %slice3A_109 : vector<1x8192xf32> to vector<8192xf32>
    %add3A_111 = arith.addf %add3A_108, %squeeze3A_110 : vector<8192xf32>
    %slice3A_112 = vector.extract_strided_slice %exp3A {offsets = [14, 0], sizes = [1, 8192], strides = [1, 1]} : vector<16x8192xf32> to vector<1x8192xf32>
    %squeeze3A_113 = vector.shape_cast %slice3A_112 : vector<1x8192xf32> to vector<8192xf32>
    %sub3A_114 = arith.subf %add3A_111, %squeeze3A_113 : vector<8192xf32>
    %mul3A_115 = arith.mulf %sub3A_114, %div3A_6 : vector<8192xf32>
    %swap3A_116 = arith.constant 0 : index
    %swap3A_117 = vector.load %arg5[%swap3A_116] : memref<8192xf32, #tpu.memory_space<vmem>>, vector<8192xf32>
    tpu.vector_store %arg5[%swap3A_116], %mul3A_115 {strides = array<i32>} : memref<8192xf32, #tpu.memory_space<vmem>>, vector<8192xf32>,
    %get3A_118 = arith.constant 1 : index
    %get3A_119 = arith.constant 0 : index
    %get3A_120 = vector.load %arg1[%get3A_118, %get3A_119] : memref<2x8192xi32, #tpu.memory_space<vmem>>, vector<1x8192xi32>
    %get3A_121 = vector.shape_cast %get3A_120 : vector<1x8192xi32> to vector<8192xi32>
    %shift_left3A = arith.constant 12 : i32
    %shift_left3A_122 = vector.broadcast %shift_left3A : i32 to vector<8192xi32>
    %shift_left3A_123 = arith.shli %get3A_121, %shift_left3A_122 : vector<8192xi32>
    %get3A_124 = arith.constant 0 : index
    %get3A_125 = arith.constant 0 : index
    %get3A_126 = vector.load %arg1[%get3A_124, %get3A_125] : memref<2x8192xi32, #tpu.memory_space<vmem>>, vector<1x8192xi32>
    %get3A_127 = vector.shape_cast %get3A_126 : vector<1x8192xi32> to vector<8192xi32>
    %or3A = arith.ori %shift_left3A_123, %get3A_127 : vector<8192xi32>
    %swap3A_128 = arith.constant 0 : index
    %swap3A_129 = vector.load %arg6[%swap3A_128] : memref<8192xi32, #tpu.memory_space<vmem>>, vector<8192xi32>
    tpu.vector_store %arg6[%swap3A_128], %or3A {strides = array<i32>} : memref<8192xi32, #tpu.memory_space<vmem>>, vector<8192xi32>,
    return
  }
}

</mosaic_0001>

<sc_bundles>
// kernel: kernel.4.cloned.1.call-start
scs
__scs_entry_jumppad:
0x0: {  	(pc) =	sbr.rel $0x88, $3  }
0x1: {  	(tag) =	ssettag $0x0;
	lr =	simm.s32 $0x1  }
0x2: {  	[smem:$0x3F9E] =	sst lr;
	_ =	strace $0xD0000000  }
0x3: {  	_ = 	snop  }
0x4: {  	_ = 	snop  }
0x5: {  	_ = 	snop  }
0x6: {  	_ = 	snop  }
0x7: {  	_ = 	snop  }
__scs_overlays_trampoline_lowered:
0x8: {  	[smem:$0x3FAD] =	sst s0  }
0x9: {  	[smem:$0x3FAE] =	sst s1  }
0xa: {  	[smem:$0x3FAF] =	sst s2  }
0xb: {  	[smem:$0x3FB0] =	sst s3  }
0xc: {  	[smem:$0x3FB1] =	sst s4  }
0xd: {  	[smem:$0x3FB2] =	sst s5  }
0xe: {  	[smem:$0x3FB3] =	sst s6  }
0xf: {  	[smem:$0x3FB4] =	sst s7  }
0x10: {  	[smem:$0x3FB5] =	sst s8  }
0x11: {  	[smem:$0x3FB6] =	sst s9;
	s0 =	simm.s32 @!p0 $0x0  }
0x12: {  	s1 =	sld [smem:$0x3F9C];
	s0 =	simm.s32 @p0 $0x1  }
0x13: {  	[smem:$0x3FB7] =	sst s0;
	s0 =	simm.s32 @!p1 $0x0  }
0x14: {  	s2 =	sld [smem:$0x3F9B];
	s0 =	simm.s32 @p1 $0x1  }
0x15: {  	[smem:$0x3FB8] =	sst s0;
	s0 =	simm.s32 @!p2 $0x0  }
0x16: {  	s3 =	sld [smem:$0x3FDB];
	s0 =	simm.s32 @p2 $0x1  }
0x17: {  	s4 =	simm.s32 $0x1BF5;
	[smem:$0x3FBA] =	sst s0  }
0x18: {  	s0 =	sld [smem:$0x3F9D];
	_ =	swait.ge [sflag:s4], $0x0  }
0x19: {  	s7 =	sld [smem:$0x3F9E]  }
0x1a: {  	s8 =	sadd.s32 $0xFFFFE003, lr  }
0x1b: {  	s9 =	sadd.s32 $0xFFFFFEF7, lr;
	s5 =	simm.s32 $0xFFFFFFFF;
	p2 =	slt.u32 s8, $0xFFFFF086  }
0x1c: {  	p1 =	slt.u32 s9, $0xF7A;
	s5 =	simm.s32 @!p2 $0x0  }
0x1d: {  	s5 =	simm.s32 @p1 $0x1;
	p0 =	seq.s32 s7, s2  }
0x1e: {  	s7 =	smul.u32 @!p0 $0xF7A, s2;
	p2 =	seq.s32 @!p0 s5, $0x0  }
0x1f: {  	s9 =	smul.u32 $0xF7A, s1;
	s8 =	simm.s32 @!p0 $0x1BF5;
	p2 =	por !p2, p0  }
0x20: {  	[sflag:s8] =	ssyncset.s32 @!p0 $0xFFFFF086;
	s6 =	sadd.s32 @!p0 s3, s7;
	s7 =	simm.s32 @!p0 $0x108  }
0x21: {  	s3 =	sadd.s32 s3, s9;
	s6 =	sadd.s32 @!p0 $0x88, s6;
	s7 =	simm.s32 @p2 $0x1082  }
0x22: {  	[simem:s7], [sflag:s8] =	dma.local @!p0 [hbm:s6], $0xF7A  }
0x23: {  	s9 =	sor.u32 $0xD0000000, s2;
	s6 =	simm.s32 $0x108;
	_ =	swait.ge @!p0 [sflag:s8], $0x0  }
0x24: {  	s3 =	sadd.s32 $0x88, s3;
	s6 =	simm.s32 @!p1 $0x1082;
	[sflag:s4] =	ssyncset.s32 $0xFFFFF086  }
0x25: {  	[simem:s6], [sflag:s4] =	dma.local [hbm:s3], $0xF7A  }
0x26: {  	[smem:$0x3F9E] =	sst s1;
	(tag) =	ssettag s2;
	_ =	strace s9  }
0x27: {  	s1 =	sld [smem:$0x3FAE]  }
0x28: {  	s2 =	sld [smem:$0x3FAF]  }
0x29: {  	s4 =	sld [smem:$0x3FB1]  }
0x2a: {  	p0 =	seq.s32 s5, $0x0;
	s5 =	sld [smem:$0x3FB2]  }
0x2b: {  	s6 =	sld [smem:$0x3FB3]  }
0x2c: {  	s7 =	sld [smem:$0x3FB4]  }
0x2d: {  	s3 =	simm.s32 $0x108;
	s8 =	sld [smem:$0x3FB5]  }
0x2e: {  	s3 =	simm.s32 @!p0 $0x1082;
	s9 =	sld [smem:$0x3FB6]  }
0x2f: {  	lr =	sadd.s32 s0, s3;
	s0 =	sld [smem:$0x3FAD]  }
0x30: {  	s3 =	sld [smem:$0x3FB0]  }
0x31: {  	[smem:$0x3FB9] =	sst s10  }
0x32: {  	s10 =	sld [smem:$0x3FB7];
	_ =	sdelay $0x3  }
0x33: {  	p0 =	seq.s32 s10, $0x1;
	s10 =	sld [smem:$0x3FB9];
	_ =	sdelay $0x3  }
0x34: {  	[smem:$0x3FB9] =	sst s10  }
0x35: {  	s10 =	sld [smem:$0x3FB8];
	_ =	sdelay $0x3  }
0x36: {  	p1 =	seq.s32 s10, $0x1;
	s10 =	sld [smem:$0x3FB9];
	_ =	sdelay $0x3  }
0x37: {  	[smem:$0x3FB9] =	sst s10  }
0x38: {  	s10 =	sld [smem:$0x3FBA]  }
0x39: {  	_ = 	snop;
	(pc) =	sbr.ind lr, $3  }
0x3a: {  	_ = 	snop  }
0x3b: {  	_ = 	snop  }
0x3c: {  	p2 =	seq.s32 s10, $0x1;
	s10 =	sld [smem:$0x3FB9]  }
0x3d: {  	_ =	shalt  }
0x3e: {  	_ =	shalt  }
0x3f: {  	_ =	shalt  }
0x40: {  	_ =	shalt  }
0x41: {  	_ =	shalt  }
0x42: {  	_ =	shalt  }
0x43: {  	_ =	shalt  }
0x44: {  	_ =	shalt  }
0x45: {  	_ =	shalt  }
0x46: {  	_ =	shalt  }
0x47: {  	_ =	shalt  }
0x48: {  	_ =	shalt  }
0x49: {  	_ =	shalt  }
0x4a: {  	_ =	shalt  }
0x4b: {  	_ =	shalt  }
0x4c: {  	_ =	shalt  }
0x4d: {  	_ =	shalt  }
0x4e: {  	_ =	shalt  }
0x4f: {  	_ =	shalt  }
0x50: {  	_ =	shalt  }
0x51: {  	_ =	shalt  }
0x52: {  	_ =	shalt  }
0x53: {  	_ =	shalt  }
0x54: {  	_ =	shalt  }
0x55: {  	_ =	shalt  }
0x56: {  	_ =	shalt  }
0x57: {  	_ =	shalt  }
0x58: {  	_ =	shalt  }
0x59: {  	_ =	shalt  }
0x5a: {  	_ =	shalt  }
0x5b: {  	_ =	shalt  }
0x5c: {  	_ =	shalt  }
0x5d: {  	_ =	shalt  }
0x5e: {  	_ =	shalt  }
0x5f: {  	_ =	shalt  }
0x60: {  	_ =	shalt  }
0x61: {  	_ =	shalt  }
0x62: {  	_ =	shalt  }
0x63: {  	_ =	shalt  }
0x64: {  	_ =	shalt  }
0x65: {  	_ =	shalt  }
0x66: {  	_ =	shalt  }
0x67: {  	_ =	shalt  }
0x68: {  	_ =	shalt  }
0x69: {  	_ =	shalt  }
0x6a: {  	_ =	shalt  }
0x6b: {  	_ =	shalt  }
0x6c: {  	_ =	shalt  }
0x6d: {  	_ =	shalt  }
0x6e: {  	_ =	shalt  }
0x6f: {  	_ =	shalt  }
0x70: {  	_ =	shalt  }
0x71: {  	_ =	shalt  }
0x72: {  	_ =	shalt  }
0x73: {  	_ =	shalt  }
0x74: {  	_ =	shalt  }
0x75: {  	_ =	shalt  }
0x76: {  	_ =	shalt  }
0x77: {  	_ =	shalt  }
0x78: {  	_ =	shalt  }
0x79: {  	_ =	shalt  }
0x7a: {  	_ =	shalt  }
0x7b: {  	_ =	shalt  }
0x7c: {  	_ =	shalt  }
0x7d: {  	_ =	shalt  }
0x7e: {  	_ =	shalt  }
0x7f: {  	_ =	shalt  }
0x80: {  	_ =	shalt  }
0x81: {  	_ =	shalt  }
0x82: {  	_ =	shalt  }
0x83: {  	_ =	shalt  }
0x84: {  	_ =	shalt  }
0x85: {  	_ =	shalt  }
0x86: {  	_ =	shalt  }
0x87: {  	_ =	shalt  }
.Lfunc_end0:
.L_simem_size_0:
called_computation_lowered:
.L_overlay_start_0:
0x88: {  	s2 =	sld [smem:$0x3FD9]  }
0x89: {  	s3 =	sld [smem:$0x3FFE];
	_ =	sdelay $0x1  }
0x8a: {  	s1 =	srdreg.scid  }
0x8b: {  	s0 =	sand.u32 $0x1, s1  }
0x8c: {  	s17 =	sshll.u32 s0, $0xA;
	s2 =	sadd.s32 s3, s2  }
0x8d: {  	s2 =	sadd.s32 s2, s17  }
0x8e: {  	[smem:$0x3FC5] =	sst s2  }
0x8f: {  	_ = 	snop  }
0x90: {  	s2 =	sld [smem:$0x3FC9]  }
0x91: {  	s18 =	sld [smem:$0x3FD0];
	(tm) =	ssettm $0x1  }
0x92: {  	s4 =	sld [smem:$0x3FFB];
	_ =	sdelay $0x3  }
0x93: {  	_ =	strace s4  }
0x94: {  	s4 =	sld [smem:$0x3FFC];
	_ =	sdelay $0x3  }
0x95: {  	_ =	strace s4  }
0x96: {  	s4 =	sld [smem:$0x3FFD];
	_ =	sdelay $0x3  }
0x97: {  	_ =	strace s4  }
0x98: {  	_ =	strace $0x8FFFFFFF  }
0x99: {  	s19 =	sld [smem:$0x3FDB];
	_ =	sdelay $0x1  }
0x9a: {  	s5 =	simm.s32 $_scs_section_size  }
0x9b: {  	s6 =	simm.s32 $_size__tile_overlayer_lowered;
	s7 =	simm.s32 $_tile_overlayer_lowered  }
0x9c: {  	s22 =	simm.s32 $0x1BFF;
	s21 =	sshll.u32 s7, $0x1;
	s4 =	sadd.s32 s5, s19  }
0x9d: {  	s8 =	simm.s32 $0x0;
	s20 =	sshll.u32 s6, $0x1;
	s6 =	sadd.s32 s21, s4  }
0x9e: {  	[timem:s8], [sflag:s22] =	dma.local [hbm:s6], s20  }
0x9f: {  	_ =	swait.ge [sflag:s22], s20  }
0xa0: {  	s5 =	ssub.s32 $0x0, s20;
	[sflag:s22] =	ssyncset.done $0x0  }
0xa1: {  	[sflag:s22] =	ssyncadd.s32 s5;
	_ =	sdelay $0x1  }
0xa2: {  	s23 =	simm.s32 $0x1B8B  }
0xa3: {  	_ =	swait.ge [sflag:s23], $0x1  }
0xa4: {  	[sflag:s23] =	ssyncset.done $0x0  }
0xa5: {  	s25 =	simm.s32 $0x1B8E;
	s24 =	sld [smem:$0x3FFE];
	[sflag:s23] =	ssyncadd.s32 $0xFFFFFFFF  }
0xa6: {  	s26 =	simm.s32 $execute0_lowered;
	[smem:$0x3FD2] =	sst s25  }
0xa7: {  	s6 =	sshll.u32 s26, $0x1;
	_ =	strace $0x80000046;
	[dreg:$0x1] =	wrdreg $0xFFFFFFFF  }
0xa8: {  	s28 =	simm.s32 $_size_execute0_lowered;
	s4 =	sadd.s32 s4, s6;
	[dreg:$0x0] =	wrdreg $0x0  }
0xa9: {  	s6 =	sshll.u32 s28, $0x1;
	[dreg:$0x2] =	wrdreg s4  }
0xaa: {  	[dreg:$0x3] =	wrdreg s6  }
0xab: {  	[dreg:$0x4] =	wrdreg $0xC0  }
0xac: {  	_ =	task [dreg:s8], $0x5FFFF  }
0xad: {  	[dreg:$0x1] =	wrdreg $0xFFFFFFFF  }
0xae: {  	[dreg:$0x0] =	wrdreg $0x60  }
0xaf: {  	[dreg:$0x2] =	wrdreg s2  }
0xb0: {  	[dreg:$0x3] =	wrdreg s24  }
0xb1: {  	[dreg:$0x4] =	wrdreg s18  }
0xb2: {  	[dreg:$0x5] =	wrdreg $0x9  }
0xb3: {  	_ =	task.clear_ibuf [dreg:s8], $0x6FFFF;
	_ =	strace $0x90000046  }
0xb4: {  	s29 =	simm.s32 $0x9;
	_ =	strace $0x80000048  }
0xb5: {  	_ =	swait.ge [sflag:s29], $0x1  }
0xb6: {  	[sflag:s29] =	ssyncadd.s32 $0xFFFFFFFF  }
0xb7: {  	_ =	strace $0x90000048  }
0xb8: {  	_ =	sfence  }
0xb9: {  	s30 =	sld [smem:$0x0];
	_ =	sdelay $0x2  }
0xba: {  	s31 =	sshll.u32 s1, $0xD;
	s1 =	sshrl.u32 s1, $0x2  }
0xbb: {  	s3 =	sand.u32 $0x4000, s31;
	s1 =	sadd.s32 s1, s30  }
0xbc: {  	s0 =	sor.u32 s3, s0;
	s1 =	sshll.u32 s1, $0x11  }
0xbd: {  	s0 =	sor.u32 s1, s0  }
0xbe: {  	s0 =	sadd.s32 $0x8F2B, s0  }
0xbf: {  	[sflag:s0] =	ssyncadd.remote.s32 $0x1  }
0xc0: {  	_ =	sfence.sel $0xFFFF  }
0xc1: {  	[dreg:$0x0] =	wrdreg $0xFFFFFFFF;
	(pc) =	sbr.abs _section_cstart, $3  }
0xc2: {  	[dreg:$0x1] =	wrdreg $0xFFFFFFFF  }
0xc3: {  	_ =	task.clear_ibuf [dreg:s8], $0x2FFFF;
	_ =	strace $0x9FFFFFFF  }
0xc4: {  	(tm) =	ssettm $0x7FFFFFFF  }
0xc5: {  	_ =	shalt  }
tec
execute0_lowered:
.L_overlay_start_1:
0x0: {  	(tag) =	ssettag $0x1  }
0x1: {  	s0 =	rddreg [dreg:$0x0]  }
0x2: {  	s3 =	rddreg [dreg:$0x1]  }
0x3: {  	s1 =	rddreg [dreg:$0x2]  }
0x4: {  	s2 =	simm.s32 $0x0;
	s25 =	srdreg.scid;
	s26 =	stileid.u32  }
0x5: {  	s13 =	simm.s32 $0xA000;
	s18 =	simm.s32 $0x3;
	s19 =	simm.s32 $0x4  }
0x6: {  	[smem:$0x7FF] =	sst s2;
	s4 =	sadd.s32 $0x1400, s3;
	s5 =	sadd.s32 $0x1800, s3  }
0x7: {  	s6 =	sadd.s32 $0x1C00, s3;
	s7 =	sadd.s32 $0x2000, s3;
	s3 =	sadd.s32 $0x2400, s3  }
0x8: {  	_ =	strace $0x80000047;
	[dreg:$0x4] =	wrdreg s4;
	s4 =	sand.u32 $0x1, s25  }
0x9: {  	[dreg:$0x5] =	wrdreg s5;
	s5 =	sshll.u32 s26, $0x8;
	s28 =	sshll.u32 s4, $0x7  }
0xa: {  	[dreg:$0x6] =	wrdreg s6;
	s4 =	ssub.s32 $0x2, s4;
	s8 =	sor.u32 s28, s5  }
0xb: {  	[dreg:$0x7] =	wrdreg s7;
	s29 =	sshrl.u32 s4, $0x1;
	s5 =	sshll.u32 s8, $0x9  }
0xc: {  	[dreg:$0x8] =	wrdreg s3;
	s3 =	ssub.s32 s4, s29;
	s30 =	sadd.s32 s0, s5  }
0xd: {  	v0 =	vimm.s32 $0x0;
	vm0 =	vcmask $0x300;
	s20 =	simm.s32 $0x0;
	s31 =	smax.u32 s3, $0x1;
	[dreg:$0x9] =	wrdreg s30  }
0xe: {  	s24 =	simm.s32 $0x0;
	s11 =	sadd.s32 $0x1000, s0;
	v0 =	vsel vm0, $0xF, v0;
	[dreg:$0xa] =	wrdreg s31  }
.LBB2_1:
0xf: {  	s0 =	rddreg [dreg:$0x9]  }
0x10: {  	[tilespmem:s13], [sflag:$0x1] =	stream.linear.gather [hbm4b:s0+s2], $0x8000, $0x38;
	[tilespmem:$0x1E000] =	vst v63  }
0x11: {  	s22 =	rddreg [dreg:$0x8]  }
0x12: {  	[tilespmem:s2], [sflag:$0x3] =	stream.linear.gather [hbm4b:s22+s2], $0x2000, $0x38;
	[tilespmem:$0x1E000] =	vst v63  }
0x13: {  	s23 =	rddreg [dreg:$0x4];
	s3 =	simm.s32 $0x2000  }
0x14: {  	[tilespmem:s3], [sflag:$0x3] =	stream.linear.gather [hbm4b:s23+s2], $0x2000, $0x38;
	[tilespmem:$0x1E000] =	vst v63  }
0x15: {  	s25 =	rddreg [dreg:$0x5];
	s26 =	simm.s32 $0x4000  }
0x16: {  	[tilespmem:s26], [sflag:$0x3] =	stream.linear.gather [hbm4b:s25+s2], $0x2000, $0x38;
	[tilespmem:$0x1E000] =	vst v63  }
0x17: {  	s28 =	rddreg [dreg:$0x6];
	s29 =	simm.s32 $0x6000  }
0x18: {  	[tilespmem:s29], [sflag:$0x3] =	stream.linear.gather [hbm4b:s28+s2], $0x2000, $0x38;
	[tilespmem:$0x1E000] =	vst v63  }
0x19: {  	s30 =	rddreg [dreg:$0x7];
	s31 =	simm.s32 $0x8000  }
0x1a: {  	[tilespmem:s31], [sflag:$0x3] =	stream.linear.gather [hbm4b:s30+s2], $0x2000, $0x38;
	[tilespmem:$0x1E000] =	vst v63  }
0x1b: {  	_ =	swait.ge [sflag:s18], $0x2000  }
0x1c: {  	[sflag:s18] =	ssyncset.done $0x0  }
0x1d: {  	[sflag:s18] =	ssyncadd.s32 $0xFFFFE000  }
0x1e: {  	_ =	swait.ge [sflag:s18], $0x2000  }
0x1f: {  	[sflag:s18] =	ssyncset.done $0x0  }
0x20: {  	[sflag:s18] =	ssyncadd.s32 $0xFFFFE000  }
0x21: {  	_ =	swait.ge [sflag:s18], $0x2000  }
0x22: {  	[sflag:s18] =	ssyncset.done $0x0  }
0x23: {  	[sflag:s18] =	ssyncadd.s32 $0xFFFFE000  }
0x24: {  	_ =	swait.ge [sflag:s18], $0x2000  }
0x25: {  	[sflag:s18] =	ssyncset.done $0x0  }
0x26: {  	[sflag:s18] =	ssyncadd.s32 $0xFFFFE000  }
0x27: {  	_ =	swait.ge [sflag:s18], $0x2000  }
0x28: {  	[sflag:s18] =	ssyncset.done $0x0  }
0x29: {  	s21 =	simm.s32 $0x0;
	[sflag:s18] =	ssyncadd.s32 $0xFFFFE000  }
.LBB2_3:
0x2a: {  	s3 =	sand.u32 $0x1, s21  }
0x2b: {  	s4 =	sshll.u32 s3, $0x3  }
0x2c: {  	s0 =	smov.u32 s21;
	v1 =	vmov s4  }
0x2d: {  	s22 =	sshll.u32 s21, $0x3;
	s21 =	sadd.s32 $0x1, s21;
	s25 =	simm.s32 $0x6010;
	v1 =	vshrl.u32 v1, $0x3  }
0x2e: {  	s26 =	simm.s32 $0x4010;
	s28 =	simm.s32 $0x2010;
	s29 =	simm.s32 $0x10;
	v7 =	vshll.u32 v1, v0  }
0x2f: {  	s30 =	simm.s32 $0x8010;
	s3 =	sadd.s32 $0x1, s3;
	p0 =	seq.s32 s0, $0xF;
	v2 =	vor.u32 $0x80, v7  }
0x30: {  	s31 =	simm.s32 $0x0;
	_ =	swait.ge [sflag:s3], $0x8000;
	s0 =	sand.u32 @!p0 $0x1, s21;
	v1 =	vbroadcast v7, $0x0;
	v3 =	vor.u32 $0x100, v7;
	v4 =	vor.u32 $0x180, v7  }
0x31: {  	s23 =	sor.u32 s8, s22;
	[sflag:s3] =	ssyncset.done $0x0;
	s4 =	sadd.s32 @!p0 $0x1, s0;
	v5 =	vor.u32 $0x200, v7;
	v6 =	vor.u32 $0x280, v7;
	v2 =	vbroadcast v2, $0x0  }
0x32: {  	s0 =	sshll.u32 @!p0 s0, $0xF;
	[sflag:s3] =	ssyncadd.s32 $0xFFFF8000;
	s3 =	sshll.u32 @!p0 s23, $0x9;
	v8 =	vor.u32 $0x300, v7;
	v3 =	vbroadcast v3, $0x0;
	v4 =	vbroadcast v4, $0x0  }
0x33: {  	s5 =	simm.s32 @!p0 $0x0;
	s0 =	sadd.s32 @!p0 $0xA000, s0;
	s3 =	sadd.s32 @!p0 s3, s11;
	v9 =	vor.u32 $0x380, v7;
	v5 =	vbroadcast v5, $0x0;
	v6 =	vbroadcast v6, $0x0  }
0x34: {  	[tilespmem:s0], [sflag:s4] =	stream.linear.gather @!p0 [hbm4b:s3+s5], $0x8000, $0x38;
	v7 =	vbroadcast v8, $0x0;
	v8 =	vbroadcast v9, $0x0;
	[tilespmem:$0x1E000] =	vst v63  }
.LBB2_4:
0x35: {  	s3 =	sor.u32 s22, s31  }
0x36: {  	s0 =	sand.u32 $0x1, s31;
	p0 =	slt.u32 s3, $0x2  }
0x37: {  	s3 =	sadd.s32 @!p0 $0x3, s0  }
0x38: {  	_ =	swait.ge @!p0 [sflag:s3], $0x2000  }
0x39: {  	[sflag:s3] =	ssyncset.done @!p0 $0x0  }
0x3a: {  	[sflag:s3] =	ssyncadd.s32 @!p0 $0xFFFFE000  }
0x3b: {  	v9 =	vld [tilespmem:s29+$0x0]  }
0x3c: {  	v10 =	vld [tilespmem:s29+$0xFFFFFFF0];
	_ =	sdelay $0x3  }
0x3d: {  	v11 =	vshll.u32 v9, $0x3  }
0x3e: {  	v12 =	vshra.s32 v9, $0xC;
	v9 =	vand.u32 $0x7F, v9;
	v15 =	vshll.u32 v10, $0x3  }
0x3f: {  	v16 =	vand.u32 $0x7F, v10;
	v14 =	vand.u32 $0x7C00, v11;
	v13 =	vshll.u32 v12, $0x3  }
0x40: {  	v18 =	vand.u32 $0x7C00, v15;
	v15 =	vshra.s32 v10, $0xC;
	v10 =	vor.u32 v6, v16  }
0x41: {  	v19 =	vor.u32 v7, v9;
	v20 =	vor.u32 v2, v16;
	v17 =	vor.u32 v3, v16  }
0x42: {  	v21 =	vor.u32 v8, v9;
	v24 =	vor.u32 v4, v16;
	v23 =	vor.u32 v5, v16  }
0x43: {  	v26 =	vor.u32 v2, v9;
	v34 =	vand.u32 $0x7F, v12;
	v35 =	vor.u32 v5, v9  }
0x44: {  	v22 =	vld [tilespmem:s30+$0x0];
	v11 =	vor.u32 v9, v14;
	v21 =	vor.u32 v14, v21;
	v25 =	vor.u32 v18, v17  }
0x45: {  	v29 =	vld [tilespmem:s30+$0xFFFFFFF0];
	v17 =	vor.u32 v3, v9;
	v28 =	vor.u32 v16, v18;
	v10 =	vor.u32 v18, v10  }
0x46: {  	v31 =	vor.u32 v14, v19;
	v32 =	vor.u32 v18, v23;
	v23 =	vld [tilespmem:s25+$0x0];
	v33 =	vand.u32 $0xFFFFFC00, v13  }
0x47: {  	v13 =	vor.u32 v6, v9;
	v19 =	vld [tilespmem:s26+$0xFFFFFFF0];
	v9 =	vor.u32 v4, v9;
	v11 =	vor.u32 v1, v11  }
0x48: {  	v30 =	vor.u32 v14, v17;
	v17 =	vld [tilespmem:s25+$0xFFFFFFF0];
	v39 =	vor.u32 v14, v9;
	v9 =	vadd.s32 v5, v33  }
0x49: {  	v12 =	vadd.s32 v3, v33;
	v28 =	vor.u32 v1, v28;
	v44 =	vor.u32 v34, v9;
	v9 =	vld [tilespmem:s28+$0x0]  }
0x4a: {  	v35 =	vor.u32 v14, v35;
	v20 =	vor.u32 v18, v20;
	v36 =	vor.u32 v34, v12;
	v12 =	vld.idx.msk [tilespmem:v25+s13+$0x0], $0xffff  }
0x4b: {  	v46 =	vand.u32 $0x7F, v15;
	v43 =	vadd.s32 v4, v33;
	v45 =	vor.u32 v14, v13;
	v42 =	vld.idx.msk [tilespmem:v10+s13+$0x0], $0xffff  }
0x4c: {  	v14 =	vor.u32 v14, v26;
	v53 =	vadd.s32 v7, v33;
	v43 =	vor.u32 v34, v43;
	v27 =	vld.idx.msk [tilespmem:v11+s13+$0x0], $0xffff  }
0x4d: {  	v25 =	vadd.s32 v1, v33;
	v11 =	vor.u32 v7, v16;
	v16 =	vor.u32 v8, v16;
	v38 =	vld.idx.msk [tilespmem:v30+s13+$0x0], $0xffff  }
0x4e: {  	v25 =	vor.u32 v34, v25;
	v30 =	vadd.s32 v2, v33;
	v60 =	vld.idx.msk [tilespmem:v28+s13+$0x0], $0xffff;
	v28 =	vor.u32 v34, v53  }
0x4f: {  	v21 =	vld.idx.msk [tilespmem:v21+s13+$0x0], $0xffff;
	v11 =	vor.u32 v18, v11;
	v41 =	vor.u32 v34, v30;
	v30 =	vshll.u32 v15, $0x3  }
0x50: {  	v10 =	vld [tilespmem:s26+$0x0];
	v16 =	vor.u32 v18, v16;
	v15 =	vadd.s32 v6, v33;
	v47 =	vand.u32 $0xFFFFFC00, v30  }
0x51: {  	v18 =	vor.u32 v18, v24;
	v48 =	vor.u32 v34, v15;
	v30 =	vld.idx.msk [tilespmem:v32+s13+$0x0], $0xffff;
	v32 =	vadd.s32 v3, v47  }
0x52: {  	v26 =	vld.idx.msk [tilespmem:v35+s13+$0x0], $0xffff;
	v49 =	vadd.s32 v4, v47;
	v54 =	vadd.s32 v8, v47;
	v56 =	vadd.s32 v2, v47  }
0x53: {  	v31 =	vld.idx.msk [tilespmem:v31+s13+$0x0], $0xffff;
	v57 =	vadd.s32 v5, v47;
	v13 =	vmul.f32 v12, v29;
	v12 =	vmul.f32 v12, v19  }
0x54: {  	v20 =	vld.idx.msk [tilespmem:v20+s13+$0x0], $0xffff;
	v24 =	vadd.s32 v6, v47;
	v52 =	vmul.f32 v42, v29;
	v58 =	vmul.f32 v21, v22  }
0x55: {  	v56 =	vor.u32 v46, v56;
	v54 =	vor.u32 v46, v54;
	v62 =	vmul.f32 v21, v10;
	v25 =	vld.idx.msk [tilespmem:v25+s13+$0x0], $0xffff  }
0x56: {  	v49 =	vor.u32 v46, v49;
	v37 =	vmul.f32 v27, v22;
	v15 =	vmul.f32 v38, v22;
	v40 =	vld.idx.msk [tilespmem:v11+s13+$0x0], $0xffff  }
0x57: {  	v42 =	vmul.f32 v42, v19;
	v27 =	vmul.f32 v27, v10;
	v11 =	vld [tilespmem:s28+$0xFFFFFFF0];
	v13 =	vadd.f32 v13, v17  }
0x58: {  	v61 =	vld.idx.msk [tilespmem:v18+s13+$0x0], $0xffff;
	v37 =	vadd.f32 v37, v23;
	v51 =	vadd.f32 v15, v23;
	v15 =	vadd.s32 v1, v47  }
0x59: {  	v18 =	vld.idx.msk [tilespmem:v43+s13+$0x0], $0xffff;
	v27 =	vadd.f32 v27, v9;
	v55 =	vmul.f32 v30, v29;
	v35 =	vor.u32 v46, v15  }
0x5a: {  	v15 =	vmul.f32 v38, v10;
	v38 =	vld.idx.msk [tilespmem:v45+s13+$0x0], $0xffff;
	v45 =	vadd.s32 v7, v47;
	v47 =	vor.u32 v46, v57  }
0x5b: {  	v57 =	vmul.f32 v31, v10;
	v55 =	vadd.f32 v55, v17;
	v43 =	vor.u32 v46, v45;
	v21 =	vld.idx.msk [tilespmem:v54+s13+$0x0], $0xffff  }
0x5c: {  	v63 =	vld.idx.msk [tilespmem:v49+s13+$0x0], $0xffff;
	v49 =	vmul.f32 v60, v29;
	v54 =	vadd.f32 v62, v9;
	v25 =	vmul.f32 v37, v25  }
0x5d: {  	v14 =	vld.idx.msk [tilespmem:v14+s13+$0x0], $0xffff;
	v15 =	vadd.f32 v15, v9;
	v37 =	vmul.f32 v26, v22;
	v50 =	vmul.f32 v40, v29  }
0x5e: {  	v12 =	vadd.f32 v12, v11;
	v40 =	vmul.f32 v40, v19;
	v59 =	vadd.f32 v25, v27;
	v25 =	vld.idx.msk [tilespmem:v36+s13+$0x0], $0xffff  }
0x5f: {  	v45 =	vmul.f32 v61, v19;
	v27 =	vadd.s32 v8, v33;
	v36 =	vld.idx.msk [tilespmem:v48+s13+$0x0], $0xffff;
	v48 =	vor.u32 v46, v24  }
0x60: {  	v24 =	vmul.f32 v26, v10;
	v26 =	vmul.f32 v20, v29;
	v27 =	vor.u32 v34, v27  }
0x61: {  	v44 =	vld.idx.msk [tilespmem:v44+s13+$0x0], $0xffff;
	v37 =	vadd.f32 v37, v23;
	v46 =	vor.u32 v46, v32;
	v33 =	vmul.f32 v38, v22  }
0x62: {  	v53 =	vld.idx.msk [tilespmem:v16+s13+$0x0], $0xffff;
	v34 =	vmul.f32 v14, v22;
	v16 =	vadd.f32 v24, v9;
	v24 =	vadd.f32 v50, v17  }
0x63: {  	v41 =	vld.idx.msk [tilespmem:v41+s13+$0x0], $0xffff;
	v50 =	vmul.f32 v31, v22;
	v31 =	vmul.f32 v20, v19;
	v33 =	vadd.f32 v33, v23  }
0x64: {  	v39 =	vld.idx.msk [tilespmem:v39+s13+$0x0], $0xffff;
	v45 =	vadd.f32 v45, v11;
	v62 =	vmul.f32 v38, v10;
	v34 =	vadd.f32 v34, v23  }
0x65: {  	v31 =	vadd.f32 v31, v11;
	v50 =	vadd.f32 v50, v23;
	v20 =	vmul.f32 v33, v36;
	v36 =	vld.idx.msk [tilespmem:v27+s13+$0x0], $0xffff  }
0x66: {  	s16 =	sshll.u32 s0, $0xD;
	v25 =	vmul.f32 v51, v25;
	v33 =	vadd.f32 v58, v23;
	v27 =	vadd.f32 v57, v9;
	v57 =	vld.idx.msk [tilespmem:v28+s13+$0x0], $0xffff  }
0x67: {  	s4 =	sand.u32 $0x1C00, s24;
	s5 =	simm.s32 $0x10;
	s3 =	sadd.s32 $0x1A000, s16;
	v51 =	vmul.f32 v60, v19;
	v58 =	vadd.f32 v26, v17;
	v28 =	vmul.f32 v37, v44;
	v37 =	vld.idx.msk [tilespmem:v48+s13+$0x0], $0xffff  }
0x68: {  	s5 =	sand.u32 $0x70, s5;
	s4 =	sadd.s32 s4, s3;
	v26 =	vmul.f32 v34, v41;
	v41 =	vadd.f32 v42, v11;
	v48 =	vmul.f32 v53, v29  }
0x69: {  	s9 =	sadd.s32 s5, s4;
	v47 =	vld.idx.msk [tilespmem:v47+s13+$0x0], $0xffff;
	v32 =	vadd.f32 v51, v11;
	v51 =	vmul.f32 v61, v29;
	v61 =	vmul.f32 v39, v22  }
0x6a: {  	v44 =	vadd.f32 v52, v17;
	[tilespmem:s9+$0x0] =	vst v59;
	v39 =	vmul.f32 v39, v10;
	v22 =	vadd.f32 v48, v17  }
0x6b: {  	v59 =	vld.idx.msk [tilespmem:v56+s13+$0x0], $0xffff;
	v29 =	vadd.f32 v61, v23;
	v60 =	vadd.f32 v51, v17;
	v36 =	vmul.f32 v33, v36  }
0x6c: {  	v61 =	vmul.f32 v53, v19;
	v23 =	vadd.f32 v39, v9;
	v44 =	vmul.f32 v44, v37;
	v37 =	vld.idx.msk [tilespmem:v43+s13+$0x0], $0xffff  }
0x6d: {  	s17 =	sand.u32 $0x60, s24;
	v39 =	vmul.f32 v30, v19;
	v30 =	vadd.f32 v62, v9;
	v48 =	vadd.f32 v36, v54;
	v36 =	vld.idx.msk [tilespmem:v35+s13+$0x0], $0xffff  }
0x6e: {  	s14 =	simm.s32 $0x0;
	s15 =	sadd.s32 $0x20, s28;
	s6 =	simm.s32 $0x0;
	v38 =	vld.idx.msk [tilespmem:v46+s13+$0x0], $0xffff;
	v17 =	vadd.f32 v49, v17;
	v42 =	vmul.f32 v60, v63;
	v63 =	vadd.f32 v44, v41  }
0x6f: {  	s7 =	simm.s32 $0x0;
	s16 =	sadd.s32 $0x20, s30;
	s10 =	sadd.s32 s17, s4;
	v34 =	vmul.f32 v55, v47;
	v33 =	vadd.f32 v40, v11;
	v19 =	vadd.f32 v61, v11;
	[tilespmem:s9+$0x380] =	vst v48  }
0x70: {  	s17 =	sadd.s32 $0x20, s25;
	s4 =	sadd.s32 $0x20, s26;
	s5 =	sadd.s32 $0x20, s29;
	v40 =	vmul.f32 v58, v59;
	v35 =	vmul.f32 v50, v57;
	v41 =	vadd.f32 v42, v45;
	[tilespmem:s10+$0x280] =	vst v63  }
.LBB2_5:
0x71: {  	v42 =	vld [tilespmem:s5+$0x0];
	s14 =	sadd.s32 $0x2, s14;
	v24 =	vmul.f32 v24, v37;
	v15 =	vadd.f32 v25, v15;
	v20 =	vadd.f32 v20, v30;
	s6 =	sadd.s32 $0x100, s6;
	s7 =	sadd.s32 $0x20, s7  }
0x72: {  	v11 =	vadd.f32 v39, v11;
	v25 =	vld [tilespmem:s5+$0xFFFFFFF0];
	p0 =	slt.u32 s14, $0x3E;
	v17 =	vmul.f32 v17, v36;
	v30 =	vadd.f32 v40, v31;
	[tilespmem:s10+$0x180] =	vst v41  }
0x73: {  	v24 =	vadd.f32 v24, v33;
	[tilespmem:s9+$0x100] =	vst v15;
	v15 =	vmul.f32 v29, v18;
	v18 =	vadd.f32 v35, v27  }
0x74: {  	v13 =	vmul.f32 v13, v38;
	v11 =	vadd.f32 v34, v11;
	v17 =	vadd.f32 v17, v32;
	[tilespmem:s10+$0x80] =	vst v30  }
0x75: {  	v10 =	vmul.f32 v14, v10;
	[tilespmem:s10+$0x300] =	vst v24;
	v14 =	vadd.f32 v15, v23;
	v15 =	vadd.f32 v28, v16  }
0x76: {  	v12 =	vadd.f32 v13, v12;
	v16 =	vshra.s32 v42, $0xC;
	v23 =	vshll.u32 v42, $0x3;
	[tilespmem:s10+$0x0] =	vst v17  }
0x77: {  	v9 =	vadd.f32 v10, v9;
	v13 =	vand.u32 $0x7F, v42;
	v24 =	vand.u32 $0x7C00, v23;
	[tilespmem:s9+$0x200] =	vst v15  }
0x78: {  	v15 =	vshll.u32 v16, $0x3;
	v10 =	vor.u32 v13, v24;
	[tilespmem:s10+$0x100] =	vst v12;
	v12 =	vmul.f32 v22, v21  }
0x79: {  	v17 =	vshll.u32 v25, $0x3;
	v10 =	vor.u32 v1, v10;
	[tilespmem:s10+$0x200] =	vst v11;
	v11 =	vadd.f32 v26, v9  }
0x7a: {  	v21 =	vand.u32 $0x7F, v25;
	v27 =	vand.u32 $0x7C00, v17;
	v12 =	vadd.f32 v12, v19;
	[tilespmem:s9+$0x300] =	vst v18  }
0x7b: {  	v23 =	vor.u32 v6, v21;
	v18 =	vshra.s32 v25, $0xC;
	v25 =	vor.u32 v7, v13;
	[tilespmem:s9+$0x180] =	vst v14  }
0x7c: {  	v17 =	vor.u32 v3, v21;
	v19 =	vor.u32 v8, v13;
	v14 =	vor.u32 v2, v21;
	v9 =	vld [tilespmem:s15+$0x0];
	[tilespmem:s10+$0x380] =	vst v12  }
0x7d: {  	v28 =	vor.u32 v4, v21;
	v31 =	vor.u32 v24, v19;
	v12 =	vor.u32 v5, v21;
	v22 =	vld [tilespmem:s16+$0x0];
	[tilespmem:s9+$0x80] =	vst v11  }
0x7e: {  	v33 =	vor.u32 v2, v13;
	v11 =	vor.u32 v27, v17;
	v32 =	vld.idx.msk [tilespmem:v10+s13+$0x0], $0xffff;
	v10 =	vor.u32 v3, v13  }
0x7f: {  	v34 =	vor.u32 v21, v27;
	v26 =	vor.u32 v7, v21;
	v17 =	vld [tilespmem:s17+$0xFFFFFFF0];
	v10 =	vor.u32 v24, v10;
	[tilespmem:s9+$0x280] =	vst v20  }
0x80: {  	v26 =	vor.u32 v27, v26;
	v25 =	vor.u32 v24, v25;
	v20 =	vor.u32 v27, v23;
	v19 =	vld [tilespmem:s4+$0xFFFFFFF0]  }
0x81: {  	v35 =	vand.u32 $0xFFFFFC00, v15;
	v15 =	vor.u32 v6, v13;
	v12 =	vor.u32 v27, v12;
	v23 =	vld [tilespmem:s17+$0x0]  }
0x82: {  	v16 =	vand.u32 $0x7F, v16;
	v36 =	vor.u32 v5, v13;
	v30 =	vadd.s32 v3, v35;
	v29 =	vld [tilespmem:s16+$0xFFFFFFF0]  }
0x83: {  	v36 =	vor.u32 v24, v36;
	v38 =	vor.u32 v16, v30;
	v21 =	vor.u32 v8, v21;
	v37 =	vld.idx.msk [tilespmem:v11+s13+$0x0], $0xffff  }
0x84: {  	v11 =	vadd.s32 v1, v35;
	v39 =	vld.idx.msk [tilespmem:v10+s13+$0x0], $0xffff;
	v10 =	vor.u32 v4, v13;
	v13 =	vmul.f32 v32, v22  }
0x85: {  	v41 =	vor.u32 v16, v11;
	v11 =	vadd.s32 v2, v35;
	v40 =	vld.idx.msk [tilespmem:v26+s13+$0x0], $0xffff;
	v42 =	vor.u32 v24, v10  }
0x86: {  	v14 =	vor.u32 v27, v14;
	v26 =	vld.idx.msk [tilespmem:v20+s13+$0x0], $0xffff;
	v20 =	vor.u32 v16, v11;
	v43 =	vadd.f32 v13, v23  }
0x87: {  	v44 =	vadd.s32 v4, v35;
	v30 =	vadd.s32 v5, v35;
	v13 =	vshll.u32 v18, $0x3;
	v10 =	vld [tilespmem:s4+$0x0]  }
0x88: {  	v15 =	vor.u32 v24, v15;
	v45 =	vor.u32 v16, v30;
	v21 =	vor.u32 v27, v21;
	v11 =	vld [tilespmem:s15+$0xFFFFFFF0]  }
0x89: {  	v46 =	vand.u32 $0x7F, v18;
	v18 =	vadd.s32 v6, v35;
	v30 =	vld.idx.msk [tilespmem:v12+s13+$0x0], $0xffff;
	v12 =	vmul.f32 v37, v29  }
0x8a: {  	v47 =	vand.u32 $0xFFFFFC00, v13;
	v18 =	vor.u32 v16, v18;
	v48 =	vmul.f32 v39, v22;
	v41 =	vld.idx.msk [tilespmem:v41+s13+$0x0], $0xffff  }
0x8b: {  	v49 =	vadd.s32 v3, v47;
	v37 =	vmul.f32 v37, v19;
	v13 =	vadd.f32 v12, v17;
	v31 =	vld.idx.msk [tilespmem:v31+s13+$0x0], $0xffff  }
0x8c: {  	v50 =	vadd.s32 v4, v47;
	v51 =	vmul.f32 v40, v29;
	v52 =	vld.idx.msk [tilespmem:v25+s13+$0x0], $0xffff;
	v25 =	vadd.f32 v48, v23  }
0x8d: {  	v24 =	vor.u32 v24, v33;
	v12 =	vadd.f32 v37, v11;
	v37 =	vmul.f32 v26, v29;
	v33 =	vld.idx.msk [tilespmem:v36+s13+$0x0], $0xffff  }
0x8e: {  	v34 =	vor.u32 v1, v34;
	v32 =	vmul.f32 v32, v10;
	v36 =	vadd.s32 v1, v47;
	v38 =	vld.idx.msk [tilespmem:v38+s13+$0x0], $0xffff  }
0x8f: {  	v53 =	vadd.s32 v7, v35;
	v36 =	vor.u32 v46, v36;
	v48 =	vld.idx.msk [tilespmem:v15+s13+$0x0], $0xffff;
	v15 =	vmul.f32 v39, v10  }
0x90: {  	v44 =	vor.u32 v16, v44;
	v39 =	vadd.s32 v7, v47;
	v54 =	vld.idx.msk [tilespmem:v18+s13+$0x0], $0xffff;
	v18 =	vadd.f32 v32, v9  }
0x91: {  	v55 =	vadd.s32 v8, v47;
	v56 =	vmul.f32 v30, v29;
	v32 =	vld.idx.msk [tilespmem:v14+s13+$0x0], $0xffff;
	v15 =	vadd.f32 v15, v9  }
0x92: {  	v57 =	vadd.s32 v2, v47;
	v58 =	vadd.s32 v5, v47;
	v14 =	vld.idx.msk [tilespmem:v24+s13+$0x0], $0xffff;
	v24 =	vmul.f32 v43, v41  }
0x93: {  	v27 =	vor.u32 v27, v28;
	v28 =	vmul.f32 v33, v22;
	v41 =	vmul.f32 v31, v22;
	v34 =	vld.idx.msk [tilespmem:v34+s13+$0x0], $0xffff  }
0x94: {  	v56 =	vadd.f32 v56, v17;
	v43 =	vor.u32 v46, v57;
	v57 =	vld.idx.msk [tilespmem:v21+s13+$0x0], $0xffff;
	v59 =	vadd.f32 v24, v18  }
0x95: {  	v18 =	vadd.s32 v6, v47;
	v21 =	vadd.s32 v8, v35;
	v24 =	vmul.f32 v48, v22  }
0x96: {  	v35 =	vor.u32 v46, v58;
	v47 =	vor.u32 v46, v18;
	v18 =	vld.idx.msk [tilespmem:v44+s13+$0x0], $0xffff;
	v44 =	vmul.f32 v52, v10  }
0x97: {  	v53 =	vor.u32 v16, v53;
	v21 =	vor.u32 v16, v21;
	v16 =	vmul.f32 v33, v10  }
0x98: {  	v60 =	vadd.f32 v24, v23;
	v58 =	vmul.f32 v14, v22;
	v33 =	vld.idx.msk [tilespmem:v27+s13+$0x0], $0xffff;
	v27 =	vmul.f32 v32, v29  }
0x99: {  	v55 =	vor.u32 v46, v55;
	v40 =	vmul.f32 v40, v19;
	v16 =	vadd.f32 v16, v9;
	v45 =	vld.idx.msk [tilespmem:v45+s13+$0x0], $0xffff  }
0x9a: {  	v50 =	vor.u32 v46, v50;
	v25 =	vmul.f32 v25, v38;
	v24 =	vadd.f32 v51, v17;
	v51 =	vld.idx.msk [tilespmem:v20+s13+$0x0], $0xffff  }
0x9b: {  	v28 =	vadd.f32 v28, v23;
	v52 =	vmul.f32 v52, v22;
	v38 =	vld.idx.msk [tilespmem:v42+s13+$0x0], $0xffff;
	v42 =	vadd.f32 v58, v23  }
0x9c: {  	v41 =	vadd.f32 v41, v23;
	v32 =	vmul.f32 v32, v19;
	v20 =	vmul.f32 v60, v54;
	v58 =	vld.idx.msk [tilespmem:v21+s13+$0x0], $0xffff  }
0x9d: {  	v61 =	vmul.f32 v31, v10;
	v54 =	vmul.f32 v34, v19;
	v60 =	vadd.f32 v27, v17;
	v53 =	vld.idx.msk [tilespmem:v53+s13+$0x0], $0xffff  }
0x9e: {  	s10 =	sadd.s32 $0x10, s7;
	s9 =	sand.u32 $0x1C00, s6;
	v39 =	vor.u32 v46, v39;
	v27 =	vadd.f32 v44, v9;
	v21 =	vld.idx.msk [tilespmem:v55+s13+$0x0], $0xffff;
	v55 =	vmul.f32 v33, v19  }
0x9f: {  	s12 =	sadd.s32 s9, s3;
	s9 =	sand.u32 $0x70, s10;
	v44 =	vor.u32 v46, v49;
	v31 =	vadd.f32 v32, v11;
	v28 =	vmul.f32 v28, v45;
	v46 =	vld.idx.msk [tilespmem:v47+s13+$0x0], $0xffff  }
0xa0: {  	s9 =	sadd.s32 s9, s12;
	v45 =	vmul.f32 v26, v19;
	v47 =	vadd.f32 v37, v17;
	v37 =	vmul.f32 v57, v29;
	v35 =	vld.idx.msk [tilespmem:v35+s13+$0x0], $0xffff  }
0xa1: {  	v32 =	vadd.f32 v54, v11;
	v49 =	vmul.f32 v33, v29;
	v26 =	vmul.f32 v42, v51;
	[tilespmem:s9+$0x0] =	vst v59  }
0xa2: {  	v45 =	vadd.f32 v45, v11;
	v41 =	vmul.f32 v41, v58;
	v42 =	vld.idx.msk [tilespmem:v50+s13+$0x0], $0xffff;
	v50 =	vmul.f32 v38, v22  }
0xa3: {  	v51 =	vmul.f32 v34, v29;
	v34 =	vadd.f32 v61, v9;
	v22 =	vadd.f32 v37, v17  }
0xa4: {  	v33 =	vadd.f32 v40, v11;
	v38 =	vmul.f32 v38, v10;
	v43 =	vld.idx.msk [tilespmem:v43+s13+$0x0], $0xffff;
	v29 =	vadd.f32 v50, v23  }
0xa5: {  	v40 =	vadd.f32 v52, v23;
	v41 =	vadd.f32 v41, v34;
	v37 =	vld.idx.msk [tilespmem:v39+s13+$0x0], $0xffff;
	v39 =	vmul.f32 v47, v46  }
.Ltmp0:
0xa6: {  	v46 =	vadd.f32 v49, v17;
	v34 =	vmul.f32 v56, v35;
	v47 =	vmul.f32 v57, v19;
	v36 =	vld.idx.msk [tilespmem:v36+s13+$0x0], $0xffff;
	(pc) =	sbr.rel @p0 .LBB2_5-.Ltmp0, $4  }
0xa7: {  	v48 =	vmul.f32 v48, v10;
	v23 =	vadd.f32 v38, v9;
	v49 =	vadd.f32 v55, v11;
	[tilespmem:s9+$0x380] =	vst v41  }
0xa8: {  	s10 =	sand.u32 $0x60, s7;
	v35 =	vmul.f32 v40, v53;
	v41 =	vmul.f32 v46, v42;
	v42 =	vadd.f32 v39, v45;
	v38 =	vld.idx.msk [tilespmem:v44+s13+$0x0], $0xffff  }
0xa9: {  	s10 =	sadd.s32 s10, s12;
	s16 =	sadd.s32 $0x20, s16;
	s15 =	sadd.s32 $0x20, s15;
	v39 =	vmul.f32 v30, v19;
	v19 =	vadd.f32 v47, v11;
	v30 =	vadd.f32 v48, v9  }
0xaa: {  	s5 =	sadd.s32 $0x20, s5;
	s17 =	sadd.s32 $0x20, s17;
	s4 =	sadd.s32 $0x20, s4;
	v17 =	vadd.f32 v51, v17;
	v40 =	vmul.f32 v60, v43;
	v41 =	vadd.f32 v41, v49;
	[tilespmem:s10+$0x280] =	vst v42  }
0xab: {  	v15 =	vadd.f32 v25, v15  }
0xac: {  	v16 =	vadd.f32 v28, v16;
	[tilespmem:s10+$0x180] =	vst v41  }
0xad: {  	v24 =	vmul.f32 v24, v37;
	v62 =	vadd.f32 v35, v27;
	[tilespmem:s9+$0x100] =	vst v15  }
0xae: {  	v11 =	vadd.f32 v39, v11;
	v59 =	vadd.f32 v40, v31;
	[tilespmem:s9+$0x200] =	vst v16  }
0xaf: {  	v10 =	vmul.f32 v14, v10;
	v63 =	vmul.f32 v22, v21;
	v24 =	vadd.f32 v24, v33;
	[tilespmem:s9+$0x300] =	vst v62  }
0xb0: {  	v17 =	vmul.f32 v17, v36;
	v11 =	vadd.f32 v34, v11;
	[tilespmem:s10+$0x80] =	vst v59  }
0xb1: {  	v13 =	vmul.f32 v13, v38;
	v9 =	vadd.f32 v10, v9;
	v10 =	vadd.f32 v63, v19;
	[tilespmem:s10+$0x300] =	vst v24  }
0xb2: {  	v61 =	vmul.f32 v29, v18;
	v60 =	vadd.f32 v17, v32;
	[tilespmem:s10+$0x200] =	vst v11  }
0xb3: {  	s4 =	sadd.s32 s23, s31;
	s31 =	sadd.s32 $0x1, s31;
	v12 =	vadd.f32 v13, v12;
	[tilespmem:s10+$0x380] =	vst v10  }
0xb4: {  	p0 =	seq.s32 s31, $0x8;
	v13 =	vadd.f32 v61, v23;
	[tilespmem:s10+$0x0] =	vst v60  }
.Ltmp1:
0xb5: {  	v9 =	vadd.f32 v26, v9;
	[tilespmem:s10+$0x100] =	vst v12;
	(pc) =	sbr.rel @!p0 .LBB2_4-.Ltmp1, $4  }
0xb6: {  	s0 =	sadd.s32 $0x3, s0;
	s25 =	sadd.s32 $0x400, s25;
	v11 =	vadd.f32 v20, v30;
	[tilespmem:s9+$0x180] =	vst v13  }
0xb7: {  	s26 =	sadd.s32 $0x400, s26;
	s28 =	sadd.s32 $0x400, s28;
	s4 =	sshll.u32 s4, $0xA;
	[tilespmem:s9+$0x80] =	vst v9  }
0xb8: {  	s29 =	sadd.s32 $0x400, s29;
	s30 =	sadd.s32 $0x400, s30;
	s4 =	sadd.s32 s1, s4;
	[tilespmem:s9+$0x280] =	vst v11  }
0xb9: {  	[hbm4b:s4+s2] =	stream.linear.scatter [tilespmem:s3], [sflag:s0], $0x2000, $0x38;
	[tilespmem:$0x1E000] =	vst v63  }
0xba: {  	p0 =	seq.s32 s21, $0x10  }
.Ltmp2:
0xbb: {  	_ = 	snop;
	(pc) =	sbr.rel @!p0 .LBB2_3-.Ltmp2, $1  }
0xbc: {  	_ =	sdelay $0x3  }
0xbd: {  	_ =	swait.ge [sflag:s18], $0x2000  }
0xbe: {  	[sflag:s18] =	ssyncset.done $0x0  }
0xbf: {  	[sflag:s18] =	ssyncadd.s32 $0xFFFFE000  }
0xc0: {  	_ =	swait.ge [sflag:s19], $0x2000  }
0xc1: {  	s20 =	sadd.s32 $0x1, s20;
	s0 =	rddreg [dreg:$0xa]  }
0xc2: {  	p0 =	sne.s32 s20, s0  }
.Ltmp3:
0xc3: {  	_ = 	snop;
	(pc) =	sbr.rel @p0 .LBB2_1-.Ltmp3, $3  }
0xc4: {  	_ =	sdelay $0x1  }
0xc5: {  	[sflag:s19] =	ssyncset.done $0x0  }
0xc6: {  	[sflag:s19] =	ssyncadd.s32 $0xFFFFE000  }
0xc7: {  	_ =	sfence.sel $0x180000  }
0xc8: {  	[bflag:$0x0] =	sbarrier.arrive $0xFFFF  }
0xc9: {  	_ =	strace $0x90000047  }
0xca: {  	s0 =	stileid.u32;
	[bflag:$0x2] =	sbarrier.arrive $0xFFFF  }
0xcb: {  	p0 =	sne.s32 s0, $0x0;
	s0 =	rddreg [dreg:$0x3]  }
0xcc: {  	s0 =	sadd.s32 @!p0 $0x100000, s0  }
0xcd: {  	[sflag:s0] =	ssyncadd.tile.s32 @!p0 $0x1;
	_ =	shalt  }
.Lfunc_end2:
_tile_overlayer_lowered:
.L_overlay_start_2:
0xce: {  	(tag) =	ssettag $0x2  }
0xcf: {  	s0 =	rddreg [dreg:$0x0];
	s2 =	stileid.u32  }
0xd0: {  	s1 =	rddreg [dreg:$0x1];
	p0 =	sne.s32 s2, $0x0  }
0xd1: {  	s3 =	rddreg [dreg:$0x2];
	[bflag:$0x3] =	sbarrier.arrive $0xFFFF;
	s2 =	simm.s32 @!p0 $0x1C05  }
0xd2: {  	[timem:s3], [sflag:s2] =	dma.local @!p0 [hbm:s0], s1  }
0xd3: {  	s0 =	simm.s32 @!p0 $0x5  }
0xd4: {  	_ =	swait.ge @!p0 [sflag:s0], s1  }
0xd5: {  	s1 =	ssub.s32 @!p0 $0x0, s1;
	[sflag:s0] =	ssyncset.done @!p0 $0x0  }
0xd6: {  	[sflag:s0] =	ssyncadd.s32 @!p0 s1  }
0xd7: {  	[bflag:$0x3] =	sbarrier.arrive $0xFFFF  }
0xd8: {  	_ =	shalt  }

</sc_bundles>
